<compile_context>
chip_gen: v7x
topology: tpu7x:2x2x1
jax: 0.10.2.dev20260603
libtpu: 0.0.44.dev20260713+nightly
codegen_flags: <defaults>
</compile_context>

<pallas_src>
import functools

import jax
import jax.numpy as jnp
from jax.experimental import pallas as pl
from jax.experimental.pallas import tpu as pltpu
from jax.experimental.pallas import tpu_sc as plsc

B = 1024
V = 100000
K = 512

_NEG_INF = float("-inf")


VR = 2000
NVS = V // VR


def _lse_body(xt_ref, lse_ref, s_ref):
    v = pl.program_id(0)

    @pl.when(v == 0)
    def _init():
        s_ref[...] = jnp.zeros((8, B), jnp.float32)

    def it(k, acc):
        return acc + jnp.exp(xt_ref[pl.ds(k * 8, 8), :])

    acc = jax.lax.fori_loop(0, VR // 8, it, jnp.zeros((8, B), jnp.float32))
    s_ref[...] = s_ref[...] + acc

    @pl.when(v == NVS - 1)
    def _fin():
        lse_ref[...] = jnp.log(jnp.sum(s_ref[...], axis=0, keepdims=True))


_lse = pl.pallas_call(
    _lse_body,
    grid=(NVS,),
    in_specs=[pl.BlockSpec((VR, B), lambda v: (v, 0))],
    out_specs=pl.BlockSpec((1, B), lambda v: (0, 0)),
    out_shape=jax.ShapeDtypeStruct((1, B), jnp.float32),
    scratch_shapes=[pltpu.VMEM((8, B), jnp.float32)],
)


_mesh = plsc.VectorSubcoreMesh(core_axis_name="c", subcore_axis_name="s")
BPW = B // 32


@functools.partial(
    pl.kernel,
    mesh=_mesh,
    out_type=jax.ShapeDtypeStruct((B, B), jnp.float32),
    scratch_types=[
        pltpu.VMEM((BPW,), jnp.int32),
        pltpu.VMEM((BPW, B), jnp.float32),
        pltpu.SemaphoreType.DMA,
    ],
)
def _sc_pick(xt_hbm, y_hbm, out_hbm, y_v, rows_v, sem):
    cid = jax.lax.axis_index("c")
    sid = jax.lax.axis_index("s")
    base = (sid * 2 + cid) * BPW
    pltpu.sync_copy(y_hbm.at[pl.ds(base, BPW)], y_v)
    pltpu.async_copy(xt_hbm.at[y_v], rows_v, sem).wait()
    pltpu.sync_copy(rows_v, out_hbm.at[pl.ds(base, BPW), :])


EB = 128


def _pick_extract_body(s_ref, o_ref):
    i = pl.program_id(0)
    col = jax.lax.broadcasted_iota(jnp.int32, (EB, B), 1)
    samp = jax.lax.broadcasted_iota(jnp.int32, (EB, B), 0) + i * EB
    o_ref[...] = jnp.sum(jnp.where(col == samp, s_ref[...], 0.0),
                         axis=1, keepdims=True)


_pick_extract = pl.pallas_call(
    _pick_extract_body,
    grid=(B // EB,),
    in_specs=[pl.BlockSpec((EB, B), lambda i: (i, 0))],
    out_specs=pl.BlockSpec((EB, 1), lambda i: (i, 0)),
    out_shape=jax.ShapeDtypeStruct((B, 1), jnp.float32),
)


def _topk_mean_body(l_ref, p_ref, o_ref):
    ps = l_ref[...] - p_ref[...]
    key = jax.lax.bitcast_convert_type(ps, jnp.int32)
    key = jnp.where(key < 0, key ^ jnp.int32(0x7FFFFFFF), key)
    u = key ^ jnp.int32(-2**31)

    pref = jnp.int32(0)
    hmask = jnp.int32(0)
    kk = jnp.int32(K)
    for b in reversed(range(32)):
        mb = jnp.int32(-2**31) if b == 31 else jnp.int32(1 << b)
        cand = ((u & hmask) == pref) & ((u & mb) != 0)
        c1 = jnp.sum(cand.astype(jnp.int32))
        take = c1 >= kk
        pref = jnp.where(take, pref | mb, pref)
        kk = jnp.where(take, kk, kk - c1)
        hmask = hmask | mb

    keyT = pref ^ jnp.int32(-2**31)
    gt = key > keyT
    sum_gt = jnp.sum(jnp.where(gt, ps, 0.0))
    cnt_gt = jnp.sum(gt.astype(jnp.int32))
    valT = jnp.max(jnp.where(key == keyT, ps, _NEG_INF))
    need = (jnp.int32(K) - cnt_gt).astype(jnp.float32)
    o_ref[...] = jnp.broadcast_to((sum_gt + need * valT) / K, (1, 1))


_topk_mean = pl.pallas_call(
    _topk_mean_body,
    out_shape=jax.ShapeDtypeStruct((1, 1), jnp.float32),
)


@jax.jit
def kernel(x, y):
    y32 = y.astype(jnp.int32)
    xt = x.T
    staged = _sc_pick(xt, y32)
    lse2d = _lse(xt)
    picked = _pick_extract(staged)
    out = _topk_mean(lse2d.reshape(8, 128), picked.reshape(8, 128))
    return out[0, 0]

# --- scband reference (transcript-rebuilt; emitter-appended) ---
"""Pipeline reference for scband-online-hard-example-mining-32341103739055 (READ-ONLY COPY).

The authoritative reference and input builder live on the scoring server;
editing this copy changes nothing except your own understanding.
"""

import jax, jax.numpy as jnp
import numpy as np

BATCH = 1024
VOCAB = 100000
RATIO = 0.5
MIN_SIZE = int(BATCH * RATIO)  # conf.batch_size assumed == BATCH


def setup_inputs(seed: int = 0) -> dict:
    key = jax.random.key(seed)
    kx, ky = jax.random.split(key)
    x = jax.random.normal(kx, (BATCH, VOCAB), dtype=jnp.float32)
    y = jax.random.randint(ky, (BATCH,), 0, VOCAB, dtype=jnp.int64)
    return {"x": x, "y": y}


def reference(x, y):
    # per-sample cross-entropy (reduction='none'):
    # loss_i = logsumexp(x_i) - x_i[y_i]
    lse = jax.nn.logsumexp(x, axis=-1)
    picked = jnp.take_along_axis(x, y[:, None].astype(jnp.int32), axis=-1)[:, 0]
    per_sample = lse - picked
    size = min(MIN_SIZE, x.shape[0])
    top_losses, _ = jax.lax.top_k(per_sample, size)
    return jnp.mean(top_losses)

if __name__ == "__main__":
    import jax
    _d = setup_inputs()
    print(jax.jit(kernel)(*tuple(_d.values())))

</pallas_src>

<mosaic_0001>
#map = affine_map<(d0, d1) -> (0, 0)>
#map1 = affine_map<(d0, d1) -> (0)>
module attributes {stable_mosaic.version = 14 : i64} {
  func.func @_sc_pick(%arg0: i32, %arg1: i32, %arg2: memref<100000x1024xf32, #tpu.memory_space<hbm>>, %arg3: memref<1024xi32, #tpu.memory_space<hbm>>, %arg4: memref<1024x1024xf32, #tpu.memory_space<hbm>>, %arg5: memref<32xi32, #tpu.memory_space<vmem>>, %arg6: memref<32x1024xf32, #tpu.memory_space<vmem>>, %arg7: memref<!tpu.dma_semaphore, #tpu.memory_space<semaphore_mem>>) attributes {dimension_semantics = [#tpu.dimension_semantics<core_parallel>, #tpu.dimension_semantics<subcore_parallel>], iteration_bounds = array<i64: 2, 16>, scalar_prefetch = 0 : i64, scratch_operands = 3 : i64, tpu.core_type = #tpu.core_type<sc_vector_subcore>, window_params = [{transform_indices = #map}, {transform_indices = #map1}, {transform_indices = #map}]} {
    %mul3A = arith.constant 2 : i32
    %mul3A_0 = arith.muli %arg1, %mul3A : i32
    %add3A = arith.addi %mul3A_0, %arg0 : i32
    %mul3A_1 = arith.constant 32 : i32
    %mul3A_2 = arith.muli %add3A, %mul3A_1 : i32
    "tpu.region"() ({
      %run_scoped3A = tpu.sem_alloc : memref<!tpu.dma_semaphore, #tpu.memory_space<semaphore_mem>>
      %dma_start3A_7 = tpu.memref_slice %arg3[%mul3A_2] : memref<1024xi32, #tpu.memory_space<hbm>> -> memref<32xi32, #tpu.memory_space<hbm>>
      %dma_start3A_8 = tpu.memref_slice %arg3[%mul3A_2] : memref<1024xi32, #tpu.memory_space<hbm>> -> memref<32xi32, #tpu.memory_space<hbm>>
      tpu.enqueue_dma source(%dma_start3A_8 : memref<32xi32, #tpu.memory_space<hbm>>) target(%arg5 : memref<32xi32, #tpu.memory_space<vmem>>) target_semaphore(%run_scoped3A : memref<!tpu.dma_semaphore, #tpu.memory_space<semaphore_mem>>)
      %dma_wait3A_9 = tpu.memref_slice %arg3[%mul3A_2] : memref<1024xi32, #tpu.memory_space<hbm>> -> memref<32xi32, #tpu.memory_space<hbm>>
      %dma_wait3A_10 = tpu.memref_slice %arg3[%mul3A_2] : memref<1024xi32, #tpu.memory_space<hbm>> -> memref<32xi32, #tpu.memory_space<hbm>>
      tpu.wait_dma2 semaphore(%run_scoped3A : memref<!tpu.dma_semaphore, #tpu.memory_space<semaphore_mem>>) src(%dma_wait3A_10 : memref<32xi32, #tpu.memory_space<hbm>>) dst(%arg5 : memref<32xi32, #tpu.memory_space<vmem>>)
      tpu.yield
    }) : () -> ()
    %dma_start3A = arith.constant 0 : i32
    %dma_start3A_3 = arith.constant 0 : i32
    %dma_start3A_4 = tpu.memref_slice %arg2[%dma_start3A, %dma_start3A_3] : memref<100000x1024xf32, #tpu.memory_space<hbm>> -> memref<100000x1024xf32, #tpu.memory_space<hbm>>
    tpu.enqueue_indirect_dma source(%dma_start3A_4 : memref<100000x1024xf32, #tpu.memory_space<hbm>>) target(%arg6 : memref<32x1024xf32, #tpu.memory_space<vmem>>) offsets(%arg5 : memref<32xi32, #tpu.memory_space<vmem>>) semaphore(%arg7 : memref<!tpu.dma_semaphore, #tpu.memory_space<semaphore_mem>>)
    %dma_wait3A = arith.constant 0 : i32
    %dma_wait3A_5 = arith.constant 0 : i32
    %dma_wait3A_6 = tpu.memref_slice %arg2[%dma_wait3A, %dma_wait3A_5] : memref<100000x1024xf32, #tpu.memory_space<hbm>> -> memref<100000x1024xf32, #tpu.memory_space<hbm>>
    tpu.wait_indirect_dma semaphore(%arg7 : memref<!tpu.dma_semaphore, #tpu.memory_space<semaphore_mem>>) src(%dma_wait3A_6 : memref<100000x1024xf32, #tpu.memory_space<hbm>>) dst(%arg6 : memref<32x1024xf32, #tpu.memory_space<vmem>>)
    "tpu.region"() ({
      %run_scoped3A = tpu.sem_alloc : memref<!tpu.dma_semaphore, #tpu.memory_space<semaphore_mem>>
      %dma_start3A_7 = arith.constant 0 : i32
      %dma_start3A_8 = tpu.memref_slice %arg4[%mul3A_2, %dma_start3A_7] : memref<1024x1024xf32, #tpu.memory_space<hbm>> -> memref<32x1024xf32, #tpu.memory_space<hbm>>
      %dma_start3A_9 = arith.constant 0 : i32
      %dma_start3A_10 = tpu.memref_slice %arg4[%mul3A_2, %dma_start3A_9] : memref<1024x1024xf32, #tpu.memory_space<hbm>> -> memref<32x1024xf32, #tpu.memory_space<hbm>>
      tpu.enqueue_dma source(%arg6 : memref<32x1024xf32, #tpu.memory_space<vmem>>) target(%dma_start3A_10 : memref<32x1024xf32, #tpu.memory_space<hbm>>) target_semaphore(%run_scoped3A : memref<!tpu.dma_semaphore, #tpu.memory_space<semaphore_mem>>)
      %dma_wait3A_11 = arith.constant 0 : i32
      %dma_wait3A_12 = tpu.memref_slice %arg4[%mul3A_2, %dma_wait3A_11] : memref<1024x1024xf32, #tpu.memory_space<hbm>> -> memref<32x1024xf32, #tpu.memory_space<hbm>>
      %dma_wait3A_13 = arith.constant 0 : i32
      %dma_wait3A_14 = tpu.memref_slice %arg4[%mul3A_2, %dma_wait3A_13] : memref<1024x1024xf32, #tpu.memory_space<hbm>> -> memref<32x1024xf32, #tpu.memory_space<hbm>>
      tpu.wait_dma2 semaphore(%run_scoped3A : memref<!tpu.dma_semaphore, #tpu.memory_space<semaphore_mem>>) src(%arg6 : memref<32x1024xf32, #tpu.memory_space<vmem>>) dst(%dma_wait3A_14 : memref<32x1024xf32, #tpu.memory_space<hbm>>)
      tpu.yield
    }) : () -> ()
    return
  }
}

module attributes {stable_mosaic.version = 14 : i64} {
  func.func @_topk_mean_body(%arg0: memref<8x128xf32, #tpu.memory_space<vmem>>, %arg1: memref<8x128xf32, #tpu.memory_space<vmem>>, %arg2: memref<1x1xf32, #tpu.memory_space<vmem>>) attributes {dimension_semantics = [], scalar_prefetch = 0 : i64, scratch_operands = 0 : i64, tpu.core_type = #tpu.core_type<tc>} {
    %get3A = arith.constant 0 : index
    %get3A_0 = arith.constant 0 : index
    %get3A_1 = vector.load %arg0[%get3A, %get3A_0] : memref<8x128xf32, #tpu.memory_space<vmem>>, vector<8x128xf32>
    %get3A_2 = arith.constant 0 : index
    %get3A_3 = arith.constant 0 : index
    %get3A_4 = vector.load %arg1[%get3A_2, %get3A_3] : memref<8x128xf32, #tpu.memory_space<vmem>>, vector<8x128xf32>
    %sub3A = arith.subf %get3A_1, %get3A_4 : vector<8x128xf32>
    %bitcast_convert_type3A = tpu.bitcast %sub3A : vector<8x128xf32> -> vector<8x128xi32>
    %lt3A = arith.constant 0 : i32
    %lt3A_5 = vector.broadcast %lt3A : i32 to vector<8x128xi32>
    %lt3A_6 = arith.cmpi slt, %bitcast_convert_type3A, %lt3A_5 : vector<8x128xi32>
    %xor3A = arith.constant 2147483647 : i32
    %xor3A_7 = vector.broadcast %xor3A : i32 to vector<8x128xi32>
    %xor3A_8 = arith.xori %bitcast_convert_type3A, %xor3A_7 : vector<8x128xi32>
    %select_n3A = arith.select %lt3A_6, %xor3A_8, %bitcast_convert_type3A : vector<8x128xi1>, vector<8x128xi32>
    %xor3A_9 = arith.constant -2147483648 : i32
    %xor3A_10 = vector.broadcast %xor3A_9 : i32 to vector<8x128xi32>
    %xor3A_11 = arith.xori %select_n3A, %xor3A_10 : vector<8x128xi32>
    %and3A = arith.constant 0 : i32
    %and3A_12 = vector.broadcast %and3A : i32 to vector<8x128xi32>
    %and3A_13 = arith.andi %xor3A_11, %and3A_12 : vector<8x128xi32>
    %eq3A = arith.constant 0 : i32
    %eq3A_14 = vector.broadcast %eq3A : i32 to vector<8x128xi32>
    %eq3A_15 = arith.cmpi eq, %and3A_13, %eq3A_14 : vector<8x128xi32>
    %and3A_16 = arith.constant -2147483648 : i32
    %and3A_17 = vector.broadcast %and3A_16 : i32 to vector<8x128xi32>
    %and3A_18 = arith.andi %xor3A_11, %and3A_17 : vector<8x128xi32>
    %ne3A = arith.constant 0 : i32
    %ne3A_19 = vector.broadcast %ne3A : i32 to vector<8x128xi32>
    %ne3A_20 = arith.cmpi ne, %and3A_18, %ne3A_19 : vector<8x128xi32>
    %and3A_21 = arith.andi %eq3A_15, %ne3A_20 : vector<8x128xi1>
    %convert_element_type3A = arith.extui %and3A_21 : vector<8x128xi1> to vector<8x128xi32>
    %reduce_sum3A = vector.shape_cast %convert_element_type3A : vector<8x128xi32> to vector<1x8x128xi32>
    %reduce_sum3A_22 = arith.constant dense<0> : vector<1xi32>
    %reduce_sum3A_23 = vector.multi_reduction <add>, %reduce_sum3A, %reduce_sum3A_22 [1, 2] : vector<1x8x128xi32> to vector<1xi32>
    %reduce_sum3A_24 = vector.shape_cast %reduce_sum3A_23 : vector<1xi32> to vector<1x1x1xi32>
    %reduce_sum3A_25 = vector.extract %reduce_sum3A_24[0, 0, 0] : i32 from vector<1x1x1xi32>
    %ge3A = arith.constant 512 : i32
    %ge3A_26 = arith.cmpi sge, %reduce_sum3A_25, %ge3A : i32
    %or3A = arith.constant 0 : i32
    %or3A_27 = arith.constant -2147483648 : i32
    %or3A_28 = arith.ori %or3A, %or3A_27 : i32
    %jit3A = arith.constant 0 : i32
    %select_n3A_29 = arith.select %ge3A_26, %or3A_28, %jit3A : i32
    %sub3A_30 = arith.constant 512 : i32
    %sub3A_31 = arith.subi %sub3A_30, %reduce_sum3A_25 : i32
    %jit3A_32 = arith.constant 512 : i32
    %select_n3A_33 = arith.select %ge3A_26, %jit3A_32, %sub3A_31 : i32
    %or3A_34 = arith.constant 0 : i32
    %or3A_35 = arith.constant -2147483648 : i32
    %or3A_36 = arith.ori %or3A_34, %or3A_35 : i32
    %and3A_37 = vector.broadcast %or3A_36 : i32 to vector<8x128xi32>
    %and3A_38 = arith.andi %xor3A_11, %and3A_37 : vector<8x128xi32>
    %eq3A_39 = vector.broadcast %select_n3A_29 : i32 to vector<8x128xi32>
    %eq3A_40 = arith.cmpi eq, %and3A_38, %eq3A_39 : vector<8x128xi32>
    %and3A_41 = arith.constant 1073741824 : i32
    %and3A_42 = vector.broadcast %and3A_41 : i32 to vector<8x128xi32>
    %and3A_43 = arith.andi %xor3A_11, %and3A_42 : vector<8x128xi32>
    %ne3A_44 = arith.constant 0 : i32
    %ne3A_45 = vector.broadcast %ne3A_44 : i32 to vector<8x128xi32>
    %ne3A_46 = arith.cmpi ne, %and3A_43, %ne3A_45 : vector<8x128xi32>
    %and3A_47 = arith.andi %eq3A_40, %ne3A_46 : vector<8x128xi1>
    %convert_element_type3A_48 = arith.extui %and3A_47 : vector<8x128xi1> to vector<8x128xi32>
    %reduce_sum3A_49 = vector.shape_cast %convert_element_type3A_48 : vector<8x128xi32> to vector<1x8x128xi32>
    %reduce_sum3A_50 = arith.constant dense<0> : vector<1xi32>
    %reduce_sum3A_51 = vector.multi_reduction <add>, %reduce_sum3A_49, %reduce_sum3A_50 [1, 2] : vector<1x8x128xi32> to vector<1xi32>
    %reduce_sum3A_52 = vector.shape_cast %reduce_sum3A_51 : vector<1xi32> to vector<1x1x1xi32>
    %reduce_sum3A_53 = vector.extract %reduce_sum3A_52[0, 0, 0] : i32 from vector<1x1x1xi32>
    %ge3A_54 = arith.cmpi sge, %reduce_sum3A_53, %select_n3A_33 : i32
    %or3A_55 = arith.constant 1073741824 : i32
    %or3A_56 = arith.ori %select_n3A_29, %or3A_55 : i32
    %select_n3A_57 = arith.select %ge3A_54, %or3A_56, %select_n3A_29 : i32
    %sub3A_58 = arith.subi %select_n3A_33, %reduce_sum3A_53 : i32
    %select_n3A_59 = arith.select %ge3A_54, %select_n3A_33, %sub3A_58 : i32
    %or3A_60 = arith.constant 1073741824 : i32
    %or3A_61 = arith.ori %or3A_36, %or3A_60 : i32
    %and3A_62 = vector.broadcast %or3A_61 : i32 to vector<8x128xi32>
    %and3A_63 = arith.andi %xor3A_11, %and3A_62 : vector<8x128xi32>
    %eq3A_64 = vector.broadcast %select_n3A_57 : i32 to vector<8x128xi32>
    %eq3A_65 = arith.cmpi eq, %and3A_63, %eq3A_64 : vector<8x128xi32>
    %and3A_66 = arith.constant 536870912 : i32
    %and3A_67 = vector.broadcast %and3A_66 : i32 to vector<8x128xi32>
    %and3A_68 = arith.andi %xor3A_11, %and3A_67 : vector<8x128xi32>
    %ne3A_69 = arith.constant 0 : i32
    %ne3A_70 = vector.broadcast %ne3A_69 : i32 to vector<8x128xi32>
    %ne3A_71 = arith.cmpi ne, %and3A_68, %ne3A_70 : vector<8x128xi32>
    %and3A_72 = arith.andi %eq3A_65, %ne3A_71 : vector<8x128xi1>
    %convert_element_type3A_73 = arith.extui %and3A_72 : vector<8x128xi1> to vector<8x128xi32>
    %reduce_sum3A_74 = vector.shape_cast %convert_element_type3A_73 : vector<8x128xi32> to vector<1x8x128xi32>
    %reduce_sum3A_75 = arith.constant dense<0> : vector<1xi32>
    %reduce_sum3A_76 = vector.multi_reduction <add>, %reduce_sum3A_74, %reduce_sum3A_75 [1, 2] : vector<1x8x128xi32> to vector<1xi32>
    %reduce_sum3A_77 = vector.shape_cast %reduce_sum3A_76 : vector<1xi32> to vector<1x1x1xi32>
    %reduce_sum3A_78 = vector.extract %reduce_sum3A_77[0, 0, 0] : i32 from vector<1x1x1xi32>
    %ge3A_79 = arith.cmpi sge, %reduce_sum3A_78, %select_n3A_59 : i32
    %or3A_80 = arith.constant 536870912 : i32
    %or3A_81 = arith.ori %select_n3A_57, %or3A_80 : i32
    %select_n3A_82 = arith.select %ge3A_79, %or3A_81, %select_n3A_57 : i32
    %sub3A_83 = arith.subi %select_n3A_59, %reduce_sum3A_78 : i32
    %select_n3A_84 = arith.select %ge3A_79, %select_n3A_59, %sub3A_83 : i32
    %or3A_85 = arith.constant 536870912 : i32
    %or3A_86 = arith.ori %or3A_61, %or3A_85 : i32
    %and3A_87 = vector.broadcast %or3A_86 : i32 to vector<8x128xi32>
    %and3A_88 = arith.andi %xor3A_11, %and3A_87 : vector<8x128xi32>
    %eq3A_89 = vector.broadcast %select_n3A_82 : i32 to vector<8x128xi32>
    %eq3A_90 = arith.cmpi eq, %and3A_88, %eq3A_89 : vector<8x128xi32>
    %and3A_91 = arith.constant 268435456 : i32
    %and3A_92 = vector.broadcast %and3A_91 : i32 to vector<8x128xi32>
    %and3A_93 = arith.andi %xor3A_11, %and3A_92 : vector<8x128xi32>
    %ne3A_94 = arith.constant 0 : i32
    %ne3A_95 = vector.broadcast %ne3A_94 : i32 to vector<8x128xi32>
    %ne3A_96 = arith.cmpi ne, %and3A_93, %ne3A_95 : vector<8x128xi32>
    %and3A_97 = arith.andi %eq3A_90, %ne3A_96 : vector<8x128xi1>
    %convert_element_type3A_98 = arith.extui %and3A_97 : vector<8x128xi1> to vector<8x128xi32>
    %reduce_sum3A_99 = vector.shape_cast %convert_element_type3A_98 : vector<8x128xi32> to vector<1x8x128xi32>
    %reduce_sum3A_100 = arith.constant dense<0> : vector<1xi32>
    %reduce_sum3A_101 = vector.multi_reduction <add>, %reduce_sum3A_99, %reduce_sum3A_100 [1, 2] : vector<1x8x128xi32> to vector<1xi32>
    %reduce_sum3A_102 = vector.shape_cast %reduce_sum3A_101 : vector<1xi32> to vector<1x1x1xi32>
    %reduce_sum3A_103 = vector.extract %reduce_sum3A_102[0, 0, 0] : i32 from vector<1x1x1xi32>
    %ge3A_104 = arith.cmpi sge, %reduce_sum3A_103, %select_n3A_84 : i32
    %or3A_105 = arith.constant 268435456 : i32
    %or3A_106 = arith.ori %select_n3A_82, %or3A_105 : i32
    %select_n3A_107 = arith.select %ge3A_104, %or3A_106, %select_n3A_82 : i32
    %sub3A_108 = arith.subi %select_n3A_84, %reduce_sum3A_103 : i32
    %select_n3A_109 = arith.select %ge3A_104, %select_n3A_84, %sub3A_108 : i32
    %or3A_110 = arith.constant 268435456 : i32
    %or3A_111 = arith.ori %or3A_86, %or3A_110 : i32
    %and3A_112 = vector.broadcast %or3A_111 : i32 to vector<8x128xi32>
    %and3A_113 = arith.andi %xor3A_11, %and3A_112 : vector<8x128xi32>
    %eq3A_114 = vector.broadcast %select_n3A_107 : i32 to vector<8x128xi32>
    %eq3A_115 = arith.cmpi eq, %and3A_113, %eq3A_114 : vector<8x128xi32>
    %and3A_116 = arith.constant 134217728 : i32
    %and3A_117 = vector.broadcast %and3A_116 : i32 to vector<8x128xi32>
    %and3A_118 = arith.andi %xor3A_11, %and3A_117 : vector<8x128xi32>
    %ne3A_119 = arith.constant 0 : i32
    %ne3A_120 = vector.broadcast %ne3A_119 : i32 to vector<8x128xi32>
    %ne3A_121 = arith.cmpi ne, %and3A_118, %ne3A_120 : vector<8x128xi32>
    %and3A_122 = arith.andi %eq3A_115, %ne3A_121 : vector<8x128xi1>
    %convert_element_type3A_123 = arith.extui %and3A_122 : vector<8x128xi1> to vector<8x128xi32>
    %reduce_sum3A_124 = vector.shape_cast %convert_element_type3A_123 : vector<8x128xi32> to vector<1x8x128xi32>
    %reduce_sum3A_125 = arith.constant dense<0> : vector<1xi32>
    %reduce_sum3A_126 = vector.multi_reduction <add>, %reduce_sum3A_124, %reduce_sum3A_125 [1, 2] : vector<1x8x128xi32> to vector<1xi32>
    %reduce_sum3A_127 = vector.shape_cast %reduce_sum3A_126 : vector<1xi32> to vector<1x1x1xi32>
    %reduce_sum3A_128 = vector.extract %reduce_sum3A_127[0, 0, 0] : i32 from vector<1x1x1xi32>
    %ge3A_129 = arith.cmpi sge, %reduce_sum3A_128, %select_n3A_109 : i32
    %or3A_130 = arith.constant 134217728 : i32
    %or3A_131 = arith.ori %select_n3A_107, %or3A_130 : i32
    %select_n3A_132 = arith.select %ge3A_129, %or3A_131, %select_n3A_107 : i32
    %sub3A_133 = arith.subi %select_n3A_109, %reduce_sum3A_128 : i32
    %select_n3A_134 = arith.select %ge3A_129, %select_n3A_109, %sub3A_133 : i32
    %or3A_135 = arith.constant 134217728 : i32
    %or3A_136 = arith.ori %or3A_111, %or3A_135 : i32
    %and3A_137 = vector.broadcast %or3A_136 : i32 to vector<8x128xi32>
    %and3A_138 = arith.andi %xor3A_11, %and3A_137 : vector<8x128xi32>
    %eq3A_139 = vector.broadcast %select_n3A_132 : i32 to vector<8x128xi32>
    %eq3A_140 = arith.cmpi eq, %and3A_138, %eq3A_139 : vector<8x128xi32>
    %and3A_141 = arith.constant 67108864 : i32
    %and3A_142 = vector.broadcast %and3A_141 : i32 to vector<8x128xi32>
    %and3A_143 = arith.andi %xor3A_11, %and3A_142 : vector<8x128xi32>
    %ne3A_144 = arith.constant 0 : i32
    %ne3A_145 = vector.broadcast %ne3A_144 : i32 to vector<8x128xi32>
    %ne3A_146 = arith.cmpi ne, %and3A_143, %ne3A_145 : vector<8x128xi32>
    %and3A_147 = arith.andi %eq3A_140, %ne3A_146 : vector<8x128xi1>
    %convert_element_type3A_148 = arith.extui %and3A_147 : vector<8x128xi1> to vector<8x128xi32>
    %reduce_sum3A_149 = vector.shape_cast %convert_element_type3A_148 : vector<8x128xi32> to vector<1x8x128xi32>
    %reduce_sum3A_150 = arith.constant dense<0> : vector<1xi32>
    %reduce_sum3A_151 = vector.multi_reduction <add>, %reduce_sum3A_149, %reduce_sum3A_150 [1, 2] : vector<1x8x128xi32> to vector<1xi32>
    %reduce_sum3A_152 = vector.shape_cast %reduce_sum3A_151 : vector<1xi32> to vector<1x1x1xi32>
    %reduce_sum3A_153 = vector.extract %reduce_sum3A_152[0, 0, 0] : i32 from vector<1x1x1xi32>
    %ge3A_154 = arith.cmpi sge, %reduce_sum3A_153, %select_n3A_134 : i32
    %or3A_155 = arith.constant 67108864 : i32
    %or3A_156 = arith.ori %select_n3A_132, %or3A_155 : i32
    %select_n3A_157 = arith.select %ge3A_154, %or3A_156, %select_n3A_132 : i32
    %sub3A_158 = arith.subi %select_n3A_134, %reduce_sum3A_153 : i32
    %select_n3A_159 = arith.select %ge3A_154, %select_n3A_134, %sub3A_158 : i32
    %or3A_160 = arith.constant 67108864 : i32
    %or3A_161 = arith.ori %or3A_136, %or3A_160 : i32
    %and3A_162 = vector.broadcast %or3A_161 : i32 to vector<8x128xi32>
    %and3A_163 = arith.andi %xor3A_11, %and3A_162 : vector<8x128xi32>
    %eq3A_164 = vector.broadcast %select_n3A_157 : i32 to vector<8x128xi32>
    %eq3A_165 = arith.cmpi eq, %and3A_163, %eq3A_164 : vector<8x128xi32>
    %and3A_166 = arith.constant 33554432 : i32
    %and3A_167 = vector.broadcast %and3A_166 : i32 to vector<8x128xi32>
    %and3A_168 = arith.andi %xor3A_11, %and3A_167 : vector<8x128xi32>
    %ne3A_169 = arith.constant 0 : i32
    %ne3A_170 = vector.broadcast %ne3A_169 : i32 to vector<8x128xi32>
    %ne3A_171 = arith.cmpi ne, %and3A_168, %ne3A_170 : vector<8x128xi32>
    %and3A_172 = arith.andi %eq3A_165, %ne3A_171 : vector<8x128xi1>
    %convert_element_type3A_173 = arith.extui %and3A_172 : vector<8x128xi1> to vector<8x128xi32>
    %reduce_sum3A_174 = vector.shape_cast %convert_element_type3A_173 : vector<8x128xi32> to vector<1x8x128xi32>
    %reduce_sum3A_175 = arith.constant dense<0> : vector<1xi32>
    %reduce_sum3A_176 = vector.multi_reduction <add>, %reduce_sum3A_174, %reduce_sum3A_175 [1, 2] : vector<1x8x128xi32> to vector<1xi32>
    %reduce_sum3A_177 = vector.shape_cast %reduce_sum3A_176 : vector<1xi32> to vector<1x1x1xi32>
    %reduce_sum3A_178 = vector.extract %reduce_sum3A_177[0, 0, 0] : i32 from vector<1x1x1xi32>
    %ge3A_179 = arith.cmpi sge, %reduce_sum3A_178, %select_n3A_159 : i32
    %or3A_180 = arith.constant 33554432 : i32
    %or3A_181 = arith.ori %select_n3A_157, %or3A_180 : i32
    %select_n3A_182 = arith.select %ge3A_179, %or3A_181, %select_n3A_157 : i32
    %sub3A_183 = arith.subi %select_n3A_159, %reduce_sum3A_178 : i32
    %select_n3A_184 = arith.select %ge3A_179, %select_n3A_159, %sub3A_183 : i32
    %or3A_185 = arith.constant 33554432 : i32
    %or3A_186 = arith.ori %or3A_161, %or3A_185 : i32
    %and3A_187 = vector.broadcast %or3A_186 : i32 to vector<8x128xi32>
    %and3A_188 = arith.andi %xor3A_11, %and3A_187 : vector<8x128xi32>
    %eq3A_189 = vector.broadcast %select_n3A_182 : i32 to vector<8x128xi32>
    %eq3A_190 = arith.cmpi eq, %and3A_188, %eq3A_189 : vector<8x128xi32>
    %and3A_191 = arith.constant 16777216 : i32
    %and3A_192 = vector.broadcast %and3A_191 : i32 to vector<8x128xi32>
    %and3A_193 = arith.andi %xor3A_11, %and3A_192 : vector<8x128xi32>
    %ne3A_194 = arith.constant 0 : i32
    %ne3A_195 = vector.broadcast %ne3A_194 : i32 to vector<8x128xi32>
    %ne3A_196 = arith.cmpi ne, %and3A_193, %ne3A_195 : vector<8x128xi32>
    %and3A_197 = arith.andi %eq3A_190, %ne3A_196 : vector<8x128xi1>
    %convert_element_type3A_198 = arith.extui %and3A_197 : vector<8x128xi1> to vector<8x128xi32>
    %reduce_sum3A_199 = vector.shape_cast %convert_element_type3A_198 : vector<8x128xi32> to vector<1x8x128xi32>
    %reduce_sum3A_200 = arith.constant dense<0> : vector<1xi32>
    %reduce_sum3A_201 = vector.multi_reduction <add>, %reduce_sum3A_199, %reduce_sum3A_200 [1, 2] : vector<1x8x128xi32> to vector<1xi32>
    %reduce_sum3A_202 = vector.shape_cast %reduce_sum3A_201 : vector<1xi32> to vector<1x1x1xi32>
    %reduce_sum3A_203 = vector.extract %reduce_sum3A_202[0, 0, 0] : i32 from vector<1x1x1xi32>
    %ge3A_204 = arith.cmpi sge, %reduce_sum3A_203, %select_n3A_184 : i32
    %or3A_205 = arith.constant 16777216 : i32
    %or3A_206 = arith.ori %select_n3A_182, %or3A_205 : i32
    %select_n3A_207 = arith.select %ge3A_204, %or3A_206, %select_n3A_182 : i32
    %sub3A_208 = arith.subi %select_n3A_184, %reduce_sum3A_203 : i32
    %select_n3A_209 = arith.select %ge3A_204, %select_n3A_184, %sub3A_208 : i32
    %or3A_210 = arith.constant 16777216 : i32
    %or3A_211 = arith.ori %or3A_186, %or3A_210 : i32
    %and3A_212 = vector.broadcast %or3A_211 : i32 to vector<8x128xi32>
    %and3A_213 = arith.andi %xor3A_11, %and3A_212 : vector<8x128xi32>
    %eq3A_214 = vector.broadcast %select_n3A_207 : i32 to vector<8x128xi32>
    %eq3A_215 = arith.cmpi eq, %and3A_213, %eq3A_214 : vector<8x128xi32>
    %and3A_216 = arith.constant 8388608 : i32
    %and3A_217 = vector.broadcast %and3A_216 : i32 to vector<8x128xi32>
    %and3A_218 = arith.andi %xor3A_11, %and3A_217 : vector<8x128xi32>
    %ne3A_219 = arith.constant 0 : i32
    %ne3A_220 = vector.broadcast %ne3A_219 : i32 to vector<8x128xi32>
    %ne3A_221 = arith.cmpi ne, %and3A_218, %ne3A_220 : vector<8x128xi32>
    %and3A_222 = arith.andi %eq3A_215, %ne3A_221 : vector<8x128xi1>
    %convert_element_type3A_223 = arith.extui %and3A_222 : vector<8x128xi1> to vector<8x128xi32>
    %reduce_sum3A_224 = vector.shape_cast %convert_element_type3A_223 : vector<8x128xi32> to vector<1x8x128xi32>
    %reduce_sum3A_225 = arith.constant dense<0> : vector<1xi32>
    %reduce_sum3A_226 = vector.multi_reduction <add>, %reduce_sum3A_224, %reduce_sum3A_225 [1, 2] : vector<1x8x128xi32> to vector<1xi32>
    %reduce_sum3A_227 = vector.shape_cast %reduce_sum3A_226 : vector<1xi32> to vector<1x1x1xi32>
    %reduce_sum3A_228 = vector.extract %reduce_sum3A_227[0, 0, 0] : i32 from vector<1x1x1xi32>
    %ge3A_229 = arith.cmpi sge, %reduce_sum3A_228, %select_n3A_209 : i32
    %or3A_230 = arith.constant 8388608 : i32
    %or3A_231 = arith.ori %select_n3A_207, %or3A_230 : i32
    %select_n3A_232 = arith.select %ge3A_229, %or3A_231, %select_n3A_207 : i32
    %sub3A_233 = arith.subi %select_n3A_209, %reduce_sum3A_228 : i32
    %select_n3A_234 = arith.select %ge3A_229, %select_n3A_209, %sub3A_233 : i32
    %or3A_235 = arith.constant 8388608 : i32
    %or3A_236 = arith.ori %or3A_211, %or3A_235 : i32
    %and3A_237 = vector.broadcast %or3A_236 : i32 to vector<8x128xi32>
    %and3A_238 = arith.andi %xor3A_11, %and3A_237 : vector<8x128xi32>
    %eq3A_239 = vector.broadcast %select_n3A_232 : i32 to vector<8x128xi32>
    %eq3A_240 = arith.cmpi eq, %and3A_238, %eq3A_239 : vector<8x128xi32>
    %and3A_241 = arith.constant 4194304 : i32
    %and3A_242 = vector.broadcast %and3A_241 : i32 to vector<8x128xi32>
    %and3A_243 = arith.andi %xor3A_11, %and3A_242 : vector<8x128xi32>
    %ne3A_244 = arith.constant 0 : i32
    %ne3A_245 = vector.broadcast %ne3A_244 : i32 to vector<8x128xi32>
    %ne3A_246 = arith.cmpi ne, %and3A_243, %ne3A_245 : vector<8x128xi32>
    %and3A_247 = arith.andi %eq3A_240, %ne3A_246 : vector<8x128xi1>
    %convert_element_type3A_248 = arith.extui %and3A_247 : vector<8x128xi1> to vector<8x128xi32>
    %reduce_sum3A_249 = vector.shape_cast %convert_element_type3A_248 : vector<8x128xi32> to vector<1x8x128xi32>
    %reduce_sum3A_250 = arith.constant dense<0> : vector<1xi32>
    %reduce_sum3A_251 = vector.multi_reduction <add>, %reduce_sum3A_249, %reduce_sum3A_250 [1, 2] : vector<1x8x128xi32> to vector<1xi32>
    %reduce_sum3A_252 = vector.shape_cast %reduce_sum3A_251 : vector<1xi32> to vector<1x1x1xi32>
    %reduce_sum3A_253 = vector.extract %reduce_sum3A_252[0, 0, 0] : i32 from vector<1x1x1xi32>
    %ge3A_254 = arith.cmpi sge, %reduce_sum3A_253, %select_n3A_234 : i32
    %or3A_255 = arith.constant 4194304 : i32
    %or3A_256 = arith.ori %select_n3A_232, %or3A_255 : i32
    %select_n3A_257 = arith.select %ge3A_254, %or3A_256, %select_n3A_232 : i32
    %sub3A_258 = arith.subi %select_n3A_234, %reduce_sum3A_253 : i32
    %select_n3A_259 = arith.select %ge3A_254, %select_n3A_234, %sub3A_258 : i32
    %or3A_260 = arith.constant 4194304 : i32
    %or3A_261 = arith.ori %or3A_236, %or3A_260 : i32
    %and3A_262 = vector.broadcast %or3A_261 : i32 to vector<8x128xi32>
    %and3A_263 = arith.andi %xor3A_11, %and3A_262 : vector<8x128xi32>
    %eq3A_264 = vector.broadcast %select_n3A_257 : i32 to vector<8x128xi32>
    %eq3A_265 = arith.cmpi eq, %and3A_263, %eq3A_264 : vector<8x128xi32>
    %and3A_266 = arith.constant 2097152 : i32
    %and3A_267 = vector.broadcast %and3A_266 : i32 to vector<8x128xi32>
    %and3A_268 = arith.andi %xor3A_11, %and3A_267 : vector<8x128xi32>
    %ne3A_269 = arith.constant 0 : i32
    %ne3A_270 = vector.broadcast %ne3A_269 : i32 to vector<8x128xi32>
    %ne3A_271 = arith.cmpi ne, %and3A_268, %ne3A_270 : vector<8x128xi32>
    %and3A_272 = arith.andi %eq3A_265, %ne3A_271 : vector<8x128xi1>
    %convert_element_type3A_273 = arith.extui %and3A_272 : vector<8x128xi1> to vector<8x128xi32>
    %reduce_sum3A_274 = vector.shape_cast %convert_element_type3A_273 : vector<8x128xi32> to vector<1x8x128xi32>
    %reduce_sum3A_275 = arith.constant dense<0> : vector<1xi32>
    %reduce_sum3A_276 = vector.multi_reduction <add>, %reduce_sum3A_274, %reduce_sum3A_275 [1, 2] : vector<1x8x128xi32> to vector<1xi32>
    %reduce_sum3A_277 = vector.shape_cast %reduce_sum3A_276 : vector<1xi32> to vector<1x1x1xi32>
    %reduce_sum3A_278 = vector.extract %reduce_sum3A_277[0, 0, 0] : i32 from vector<1x1x1xi32>
    %ge3A_279 = arith.cmpi sge, %reduce_sum3A_278, %select_n3A_259 : i32
    %or3A_280 = arith.constant 2097152 : i32
    %or3A_281 = arith.ori %select_n3A_257, %or3A_280 : i32
    %select_n3A_282 = arith.select %ge3A_279, %or3A_281, %select_n3A_257 : i32
    %sub3A_283 = arith.subi %select_n3A_259, %reduce_sum3A_278 : i32
    %select_n3A_284 = arith.select %ge3A_279, %select_n3A_259, %sub3A_283 : i32
    %or3A_285 = arith.constant 2097152 : i32
    %or3A_286 = arith.ori %or3A_261, %or3A_285 : i32
    %and3A_287 = vector.broadcast %or3A_286 : i32 to vector<8x128xi32>
    %and3A_288 = arith.andi %xor3A_11, %and3A_287 : vector<8x128xi32>
    %eq3A_289 = vector.broadcast %select_n3A_282 : i32 to vector<8x128xi32>
    %eq3A_290 = arith.cmpi eq, %and3A_288, %eq3A_289 : vector<8x128xi32>
    %and3A_291 = arith.constant 1048576 : i32
    %and3A_292 = vector.broadcast %and3A_291 : i32 to vector<8x128xi32>
    %and3A_293 = arith.andi %xor3A_11, %and3A_292 : vector<8x128xi32>
    %ne3A_294 = arith.constant 0 : i32
    %ne3A_295 = vector.broadcast %ne3A_294 : i32 to vector<8x128xi32>
    %ne3A_296 = arith.cmpi ne, %and3A_293, %ne3A_295 : vector<8x128xi32>
    %and3A_297 = arith.andi %eq3A_290, %ne3A_296 : vector<8x128xi1>
    %convert_element_type3A_298 = arith.extui %and3A_297 : vector<8x128xi1> to vector<8x128xi32>
    %reduce_sum3A_299 = vector.shape_cast %convert_element_type3A_298 : vector<8x128xi32> to vector<1x8x128xi32>
    %reduce_sum3A_300 = arith.constant dense<0> : vector<1xi32>
    %reduce_sum3A_301 = vector.multi_reduction <add>, %reduce_sum3A_299, %reduce_sum3A_300 [1, 2] : vector<1x8x128xi32> to vector<1xi32>
    %reduce_sum3A_302 = vector.shape_cast %reduce_sum3A_301 : vector<1xi32> to vector<1x1x1xi32>
    %reduce_sum3A_303 = vector.extract %reduce_sum3A_302[0, 0, 0] : i32 from vector<1x1x1xi32>
    %ge3A_304 = arith.cmpi sge, %reduce_sum3A_303, %select_n3A_284 : i32
    %or3A_305 = arith.constant 1048576 : i32
    %or3A_306 = arith.ori %select_n3A_282, %or3A_305 : i32
    %select_n3A_307 = arith.select %ge3A_304, %or3A_306, %select_n3A_282 : i32
    %sub3A_308 = arith.subi %select_n3A_284, %reduce_sum3A_303 : i32
    %select_n3A_309 = arith.select %ge3A_304, %select_n3A_284, %sub3A_308 : i32
    %or3A_310 = arith.constant 1048576 : i32
    %or3A_311 = arith.ori %or3A_286, %or3A_310 : i32
    %and3A_312 = vector.broadcast %or3A_311 : i32 to vector<8x128xi32>
    %and3A_313 = arith.andi %xor3A_11, %and3A_312 : vector<8x128xi32>
    %eq3A_314 = vector.broadcast %select_n3A_307 : i32 to vector<8x128xi32>
    %eq3A_315 = arith.cmpi eq, %and3A_313, %eq3A_314 : vector<8x128xi32>
    %and3A_316 = arith.constant 524288 : i32
    %and3A_317 = vector.broadcast %and3A_316 : i32 to vector<8x128xi32>
    %and3A_318 = arith.andi %xor3A_11, %and3A_317 : vector<8x128xi32>
    %ne3A_319 = arith.constant 0 : i32
    %ne3A_320 = vector.broadcast %ne3A_319 : i32 to vector<8x128xi32>
    %ne3A_321 = arith.cmpi ne, %and3A_318, %ne3A_320 : vector<8x128xi32>
    %and3A_322 = arith.andi %eq3A_315, %ne3A_321 : vector<8x128xi1>
    %convert_element_type3A_323 = arith.extui %and3A_322 : vector<8x128xi1> to vector<8x128xi32>
    %reduce_sum3A_324 = vector.shape_cast %convert_element_type3A_323 : vector<8x128xi32> to vector<1x8x128xi32>
    %reduce_sum3A_325 = arith.constant dense<0> : vector<1xi32>
    %reduce_sum3A_326 = vector.multi_reduction <add>, %reduce_sum3A_324, %reduce_sum3A_325 [1, 2] : vector<1x8x128xi32> to vector<1xi32>
    %reduce_sum3A_327 = vector.shape_cast %reduce_sum3A_326 : vector<1xi32> to vector<1x1x1xi32>
    %reduce_sum3A_328 = vector.extract %reduce_sum3A_327[0, 0, 0] : i32 from vector<1x1x1xi32>
    %ge3A_329 = arith.cmpi sge, %reduce_sum3A_328, %select_n3A_309 : i32
    %or3A_330 = arith.constant 524288 : i32
    %or3A_331 = arith.ori %select_n3A_307, %or3A_330 : i32
    %select_n3A_332 = arith.select %ge3A_329, %or3A_331, %select_n3A_307 : i32
    %sub3A_333 = arith.subi %select_n3A_309, %reduce_sum3A_328 : i32
    %select_n3A_334 = arith.select %ge3A_329, %select_n3A_309, %sub3A_333 : i32
    %or3A_335 = arith.constant 524288 : i32
    %or3A_336 = arith.ori %or3A_311, %or3A_335 : i32
    %and3A_337 = vector.broadcast %or3A_336 : i32 to vector<8x128xi32>
    %and3A_338 = arith.andi %xor3A_11, %and3A_337 : vector<8x128xi32>
    %eq3A_339 = vector.broadcast %select_n3A_332 : i32 to vector<8x128xi32>
    %eq3A_340 = arith.cmpi eq, %and3A_338, %eq3A_339 : vector<8x128xi32>
    %and3A_341 = arith.constant 262144 : i32
    %and3A_342 = vector.broadcast %and3A_341 : i32 to vector<8x128xi32>
    %and3A_343 = arith.andi %xor3A_11, %and3A_342 : vector<8x128xi32>
    %ne3A_344 = arith.constant 0 : i32
    %ne3A_345 = vector.broadcast %ne3A_344 : i32 to vector<8x128xi32>
    %ne3A_346 = arith.cmpi ne, %and3A_343, %ne3A_345 : vector<8x128xi32>
    %and3A_347 = arith.andi %eq3A_340, %ne3A_346 : vector<8x128xi1>
    %convert_element_type3A_348 = arith.extui %and3A_347 : vector<8x128xi1> to vector<8x128xi32>
    %reduce_sum3A_349 = vector.shape_cast %convert_element_type3A_348 : vector<8x128xi32> to vector<1x8x128xi32>
    %reduce_sum3A_350 = arith.constant dense<0> : vector<1xi32>
    %reduce_sum3A_351 = vector.multi_reduction <add>, %reduce_sum3A_349, %reduce_sum3A_350 [1, 2] : vector<1x8x128xi32> to vector<1xi32>
    %reduce_sum3A_352 = vector.shape_cast %reduce_sum3A_351 : vector<1xi32> to vector<1x1x1xi32>
    %reduce_sum3A_353 = vector.extract %reduce_sum3A_352[0, 0, 0] : i32 from vector<1x1x1xi32>
    %ge3A_354 = arith.cmpi sge, %reduce_sum3A_353, %select_n3A_334 : i32
    %or3A_355 = arith.constant 262144 : i32
    %or3A_356 = arith.ori %select_n3A_332, %or3A_355 : i32
    %select_n3A_357 = arith.select %ge3A_354, %or3A_356, %select_n3A_332 : i32
    %sub3A_358 = arith.subi %select_n3A_334, %reduce_sum3A_353 : i32
    %select_n3A_359 = arith.select %ge3A_354, %select_n3A_334, %sub3A_358 : i32
    %or3A_360 = arith.constant 262144 : i32
    %or3A_361 = arith.ori %or3A_336, %or3A_360 : i32
    %and3A_362 = vector.broadcast %or3A_361 : i32 to vector<8x128xi32>
    %and3A_363 = arith.andi %xor3A_11, %and3A_362 : vector<8x128xi32>
    %eq3A_364 = vector.broadcast %select_n3A_357 : i32 to vector<8x128xi32>
    %eq3A_365 = arith.cmpi eq, %and3A_363, %eq3A_364 : vector<8x128xi32>
    %and3A_366 = arith.constant 131072 : i32
    %and3A_367 = vector.broadcast %and3A_366 : i32 to vector<8x128xi32>
    %and3A_368 = arith.andi %xor3A_11, %and3A_367 : vector<8x128xi32>
    %ne3A_369 = arith.constant 0 : i32
    %ne3A_370 = vector.broadcast %ne3A_369 : i32 to vector<8x128xi32>
    %ne3A_371 = arith.cmpi ne, %and3A_368, %ne3A_370 : vector<8x128xi32>
    %and3A_372 = arith.andi %eq3A_365, %ne3A_371 : vector<8x128xi1>
    %convert_element_type3A_373 = arith.extui %and3A_372 : vector<8x128xi1> to vector<8x128xi32>
    %reduce_sum3A_374 = vector.shape_cast %convert_element_type3A_373 : vector<8x128xi32> to vector<1x8x128xi32>
    %reduce_sum3A_375 = arith.constant dense<0> : vector<1xi32>
    %reduce_sum3A_376 = vector.multi_reduction <add>, %reduce_sum3A_374, %reduce_sum3A_375 [1, 2] : vector<1x8x128xi32> to vector<1xi32>
    %reduce_sum3A_377 = vector.shape_cast %reduce_sum3A_376 : vector<1xi32> to vector<1x1x1xi32>
    %reduce_sum3A_378 = vector.extract %reduce_sum3A_377[0, 0, 0] : i32 from vector<1x1x1xi32>
    %ge3A_379 = arith.cmpi sge, %reduce_sum3A_378, %select_n3A_359 : i32
    %or3A_380 = arith.constant 131072 : i32
    %or3A_381 = arith.ori %select_n3A_357, %or3A_380 : i32
    %select_n3A_382 = arith.select %ge3A_379, %or3A_381, %select_n3A_357 : i32
    %sub3A_383 = arith.subi %select_n3A_359, %reduce_sum3A_378 : i32
    %select_n3A_384 = arith.select %ge3A_379, %select_n3A_359, %sub3A_383 : i32
    %or3A_385 = arith.constant 131072 : i32
    %or3A_386 = arith.ori %or3A_361, %or3A_385 : i32
    %and3A_387 = vector.broadcast %or3A_386 : i32 to vector<8x128xi32>
    %and3A_388 = arith.andi %xor3A_11, %and3A_387 : vector<8x128xi32>
    %eq3A_389 = vector.broadcast %select_n3A_382 : i32 to vector<8x128xi32>
    %eq3A_390 = arith.cmpi eq, %and3A_388, %eq3A_389 : vector<8x128xi32>
    %and3A_391 = arith.constant 65536 : i32
    %and3A_392 = vector.broadcast %and3A_391 : i32 to vector<8x128xi32>
    %and3A_393 = arith.andi %xor3A_11, %and3A_392 : vector<8x128xi32>
    %ne3A_394 = arith.constant 0 : i32
    %ne3A_395 = vector.broadcast %ne3A_394 : i32 to vector<8x128xi32>
    %ne3A_396 = arith.cmpi ne, %and3A_393, %ne3A_395 : vector<8x128xi32>
    %and3A_397 = arith.andi %eq3A_390, %ne3A_396 : vector<8x128xi1>
    %convert_element_type3A_398 = arith.extui %and3A_397 : vector<8x128xi1> to vector<8x128xi32>
    %reduce_sum3A_399 = vector.shape_cast %convert_element_type3A_398 : vector<8x128xi32> to vector<1x8x128xi32>
    %reduce_sum3A_400 = arith.constant dense<0> : vector<1xi32>
    %reduce_sum3A_401 = vector.multi_reduction <add>, %reduce_sum3A_399, %reduce_sum3A_400 [1, 2] : vector<1x8x128xi32> to vector<1xi32>
    %reduce_sum3A_402 = vector.shape_cast %reduce_sum3A_401 : vector<1xi32> to vector<1x1x1xi32>
    %reduce_sum3A_403 = vector.extract %reduce_sum3A_402[0, 0, 0] : i32 from vector<1x1x1xi32>
    %ge3A_404 = arith.cmpi sge, %reduce_sum3A_403, %select_n3A_384 : i32
    %or3A_405 = arith.constant 65536 : i32
    %or3A_406 = arith.ori %select_n3A_382, %or3A_405 : i32
    %select_n3A_407 = arith.select %ge3A_404, %or3A_406, %select_n3A_382 : i32
    %sub3A_408 = arith.subi %select_n3A_384, %reduce_sum3A_403 : i32
    %select_n3A_409 = arith.select %ge3A_404, %select_n3A_384, %sub3A_408 : i32
    %or3A_410 = arith.constant 65536 : i32
    %or3A_411 = arith.ori %or3A_386, %or3A_410 : i32
    %and3A_412 = vector.broadcast %or3A_411 : i32 to vector<8x128xi32>
    %and3A_413 = arith.andi %xor3A_11, %and3A_412 : vector<8x128xi32>
    %eq3A_414 = vector.broadcast %select_n3A_407 : i32 to vector<8x128xi32>
    %eq3A_415 = arith.cmpi eq, %and3A_413, %eq3A_414 : vector<8x128xi32>
    %and3A_416 = arith.constant 32768 : i32
    %and3A_417 = vector.broadcast %and3A_416 : i32 to vector<8x128xi32>
    %and3A_418 = arith.andi %xor3A_11, %and3A_417 : vector<8x128xi32>
    %ne3A_419 = arith.constant 0 : i32
    %ne3A_420 = vector.broadcast %ne3A_419 : i32 to vector<8x128xi32>
    %ne3A_421 = arith.cmpi ne, %and3A_418, %ne3A_420 : vector<8x128xi32>
    %and3A_422 = arith.andi %eq3A_415, %ne3A_421 : vector<8x128xi1>
    %convert_element_type3A_423 = arith.extui %and3A_422 : vector<8x128xi1> to vector<8x128xi32>
    %reduce_sum3A_424 = vector.shape_cast %convert_element_type3A_423 : vector<8x128xi32> to vector<1x8x128xi32>
    %reduce_sum3A_425 = arith.constant dense<0> : vector<1xi32>
    %reduce_sum3A_426 = vector.multi_reduction <add>, %reduce_sum3A_424, %reduce_sum3A_425 [1, 2] : vector<1x8x128xi32> to vector<1xi32>
    %reduce_sum3A_427 = vector.shape_cast %reduce_sum3A_426 : vector<1xi32> to vector<1x1x1xi32>
    %reduce_sum3A_428 = vector.extract %reduce_sum3A_427[0, 0, 0] : i32 from vector<1x1x1xi32>
    %ge3A_429 = arith.cmpi sge, %reduce_sum3A_428, %select_n3A_409 : i32
    %or3A_430 = arith.constant 32768 : i32
    %or3A_431 = arith.ori %select_n3A_407, %or3A_430 : i32
    %select_n3A_432 = arith.select %ge3A_429, %or3A_431, %select_n3A_407 : i32
    %sub3A_433 = arith.subi %select_n3A_409, %reduce_sum3A_428 : i32
    %select_n3A_434 = arith.select %ge3A_429, %select_n3A_409, %sub3A_433 : i32
    %or3A_435 = arith.constant 32768 : i32
    %or3A_436 = arith.ori %or3A_411, %or3A_435 : i32
    %and3A_437 = vector.broadcast %or3A_436 : i32 to vector<8x128xi32>
    %and3A_438 = arith.andi %xor3A_11, %and3A_437 : vector<8x128xi32>
    %eq3A_439 = vector.broadcast %select_n3A_432 : i32 to vector<8x128xi32>
    %eq3A_440 = arith.cmpi eq, %and3A_438, %eq3A_439 : vector<8x128xi32>
    %and3A_441 = arith.constant 16384 : i32
    %and3A_442 = vector.broadcast %and3A_441 : i32 to vector<8x128xi32>
    %and3A_443 = arith.andi %xor3A_11, %and3A_442 : vector<8x128xi32>
    %ne3A_444 = arith.constant 0 : i32
    %ne3A_445 = vector.broadcast %ne3A_444 : i32 to vector<8x128xi32>
    %ne3A_446 = arith.cmpi ne, %and3A_443, %ne3A_445 : vector<8x128xi32>
    %and3A_447 = arith.andi %eq3A_440, %ne3A_446 : vector<8x128xi1>
    %convert_element_type3A_448 = arith.extui %and3A_447 : vector<8x128xi1> to vector<8x128xi32>
    %reduce_sum3A_449 = vector.shape_cast %convert_element_type3A_448 : vector<8x128xi32> to vector<1x8x128xi32>
    %reduce_sum3A_450 = arith.constant dense<0> : vector<1xi32>
    %reduce_sum3A_451 = vector.multi_reduction <add>, %reduce_sum3A_449, %reduce_sum3A_450 [1, 2] : vector<1x8x128xi32> to vector<1xi32>
    %reduce_sum3A_452 = vector.shape_cast %reduce_sum3A_451 : vector<1xi32> to vector<1x1x1xi32>
    %reduce_sum3A_453 = vector.extract %reduce_sum3A_452[0, 0, 0] : i32 from vector<1x1x1xi32>
    %ge3A_454 = arith.cmpi sge, %reduce_sum3A_453, %select_n3A_434 : i32
    %or3A_455 = arith.constant 16384 : i32
    %or3A_456 = arith.ori %select_n3A_432, %or3A_455 : i32
    %select_n3A_457 = arith.select %ge3A_454, %or3A_456, %select_n3A_432 : i32
    %sub3A_458 = arith.subi %select_n3A_434, %reduce_sum3A_453 : i32
    %select_n3A_459 = arith.select %ge3A_454, %select_n3A_434, %sub3A_458 : i32
    %or3A_460 = arith.constant 16384 : i32
    %or3A_461 = arith.ori %or3A_436, %or3A_460 : i32
    %and3A_462 = vector.broadcast %or3A_461 : i32 to vector<8x128xi32>
    %and3A_463 = arith.andi %xor3A_11, %and3A_462 : vector<8x128xi32>
    %eq3A_464 = vector.broadcast %select_n3A_457 : i32 to vector<8x128xi32>
    %eq3A_465 = arith.cmpi eq, %and3A_463, %eq3A_464 : vector<8x128xi32>
    %and3A_466 = arith.constant 8192 : i32
    %and3A_467 = vector.broadcast %and3A_466 : i32 to vector<8x128xi32>
    %and3A_468 = arith.andi %xor3A_11, %and3A_467 : vector<8x128xi32>
    %ne3A_469 = arith.constant 0 : i32
    %ne3A_470 = vector.broadcast %ne3A_469 : i32 to vector<8x128xi32>
    %ne3A_471 = arith.cmpi ne, %and3A_468, %ne3A_470 : vector<8x128xi32>
    %and3A_472 = arith.andi %eq3A_465, %ne3A_471 : vector<8x128xi1>
    %convert_element_type3A_473 = arith.extui %and3A_472 : vector<8x128xi1> to vector<8x128xi32>
    %reduce_sum3A_474 = vector.shape_cast %convert_element_type3A_473 : vector<8x128xi32> to vector<1x8x128xi32>
    %reduce_sum3A_475 = arith.constant dense<0> : vector<1xi32>
    %reduce_sum3A_476 = vector.multi_reduction <add>, %reduce_sum3A_474, %reduce_sum3A_475 [1, 2] : vector<1x8x128xi32> to vector<1xi32>
    %reduce_sum3A_477 = vector.shape_cast %reduce_sum3A_476 : vector<1xi32> to vector<1x1x1xi32>
    %reduce_sum3A_478 = vector.extract %reduce_sum3A_477[0, 0, 0] : i32 from vector<1x1x1xi32>
    %ge3A_479 = arith.cmpi sge, %reduce_sum3A_478, %select_n3A_459 : i32
    %or3A_480 = arith.constant 8192 : i32
    %or3A_481 = arith.ori %select_n3A_457, %or3A_480 : i32
    %select_n3A_482 = arith.select %ge3A_479, %or3A_481, %select_n3A_457 : i32
    %sub3A_483 = arith.subi %select_n3A_459, %reduce_sum3A_478 : i32
    %select_n3A_484 = arith.select %ge3A_479, %select_n3A_459, %sub3A_483 : i32
    %or3A_485 = arith.constant 8192 : i32
    %or3A_486 = arith.ori %or3A_461, %or3A_485 : i32
    %and3A_487 = vector.broadcast %or3A_486 : i32 to vector<8x128xi32>
    %and3A_488 = arith.andi %xor3A_11, %and3A_487 : vector<8x128xi32>
    %eq3A_489 = vector.broadcast %select_n3A_482 : i32 to vector<8x128xi32>
    %eq3A_490 = arith.cmpi eq, %and3A_488, %eq3A_489 : vector<8x128xi32>
    %and3A_491 = arith.constant 4096 : i32
    %and3A_492 = vector.broadcast %and3A_491 : i32 to vector<8x128xi32>
    %and3A_493 = arith.andi %xor3A_11, %and3A_492 : vector<8x128xi32>
    %ne3A_494 = arith.constant 0 : i32
    %ne3A_495 = vector.broadcast %ne3A_494 : i32 to vector<8x128xi32>
    %ne3A_496 = arith.cmpi ne, %and3A_493, %ne3A_495 : vector<8x128xi32>
    %and3A_497 = arith.andi %eq3A_490, %ne3A_496 : vector<8x128xi1>
    %convert_element_type3A_498 = arith.extui %and3A_497 : vector<8x128xi1> to vector<8x128xi32>
    %reduce_sum3A_499 = vector.shape_cast %convert_element_type3A_498 : vector<8x128xi32> to vector<1x8x128xi32>
    %reduce_sum3A_500 = arith.constant dense<0> : vector<1xi32>
    %reduce_sum3A_501 = vector.multi_reduction <add>, %reduce_sum3A_499, %reduce_sum3A_500 [1, 2] : vector<1x8x128xi32> to vector<1xi32>
    %reduce_sum3A_502 = vector.shape_cast %reduce_sum3A_501 : vector<1xi32> to vector<1x1x1xi32>
    %reduce_sum3A_503 = vector.extract %reduce_sum3A_502[0, 0, 0] : i32 from vector<1x1x1xi32>
    %ge3A_504 = arith.cmpi sge, %reduce_sum3A_503, %select_n3A_484 : i32
    %or3A_505 = arith.constant 4096 : i32
    %or3A_506 = arith.ori %select_n3A_482, %or3A_505 : i32
    %select_n3A_507 = arith.select %ge3A_504, %or3A_506, %select_n3A_482 : i32
    %sub3A_508 = arith.subi %select_n3A_484, %reduce_sum3A_503 : i32
    %select_n3A_509 = arith.select %ge3A_504, %select_n3A_484, %sub3A_508 : i32
    %or3A_510 = arith.constant 4096 : i32
    %or3A_511 = arith.ori %or3A_486, %or3A_510 : i32
    %and3A_512 = vector.broadcast %or3A_511 : i32 to vector<8x128xi32>
    %and3A_513 = arith.andi %xor3A_11, %and3A_512 : vector<8x128xi32>
    %eq3A_514 = vector.broadcast %select_n3A_507 : i32 to vector<8x128xi32>
    %eq3A_515 = arith.cmpi eq, %and3A_513, %eq3A_514 : vector<8x128xi32>
    %and3A_516 = arith.constant 2048 : i32
    %and3A_517 = vector.broadcast %and3A_516 : i32 to vector<8x128xi32>
    %and3A_518 = arith.andi %xor3A_11, %and3A_517 : vector<8x128xi32>
    %ne3A_519 = arith.constant 0 : i32
    %ne3A_520 = vector.broadcast %ne3A_519 : i32 to vector<8x128xi32>
    %ne3A_521 = arith.cmpi ne, %and3A_518, %ne3A_520 : vector<8x128xi32>
    %and3A_522 = arith.andi %eq3A_515, %ne3A_521 : vector<8x128xi1>
    %convert_element_type3A_523 = arith.extui %and3A_522 : vector<8x128xi1> to vector<8x128xi32>
    %reduce_sum3A_524 = vector.shape_cast %convert_element_type3A_523 : vector<8x128xi32> to vector<1x8x128xi32>
    %reduce_sum3A_525 = arith.constant dense<0> : vector<1xi32>
    %reduce_sum3A_526 = vector.multi_reduction <add>, %reduce_sum3A_524, %reduce_sum3A_525 [1, 2] : vector<1x8x128xi32> to vector<1xi32>
    %reduce_sum3A_527 = vector.shape_cast %reduce_sum3A_526 : vector<1xi32> to vector<1x1x1xi32>
    %reduce_sum3A_528 = vector.extract %reduce_sum3A_527[0, 0, 0] : i32 from vector<1x1x1xi32>
    %ge3A_529 = arith.cmpi sge, %reduce_sum3A_528, %select_n3A_509 : i32
    %or3A_530 = arith.constant 2048 : i32
    %or3A_531 = arith.ori %select_n3A_507, %or3A_530 : i32
    %select_n3A_532 = arith.select %ge3A_529, %or3A_531, %select_n3A_507 : i32
    %sub3A_533 = arith.subi %select_n3A_509, %reduce_sum3A_528 : i32
    %select_n3A_534 = arith.select %ge3A_529, %select_n3A_509, %sub3A_533 : i32
    %or3A_535 = arith.constant 2048 : i32
    %or3A_536 = arith.ori %or3A_511, %or3A_535 : i32
    %and3A_537 = vector.broadcast %or3A_536 : i32 to vector<8x128xi32>
    %and3A_538 = arith.andi %xor3A_11, %and3A_537 : vector<8x128xi32>
    %eq3A_539 = vector.broadcast %select_n3A_532 : i32 to vector<8x128xi32>
    %eq3A_540 = arith.cmpi eq, %and3A_538, %eq3A_539 : vector<8x128xi32>
    %and3A_541 = arith.constant 1024 : i32
    %and3A_542 = vector.broadcast %and3A_541 : i32 to vector<8x128xi32>
    %and3A_543 = arith.andi %xor3A_11, %and3A_542 : vector<8x128xi32>
    %ne3A_544 = arith.constant 0 : i32
    %ne3A_545 = vector.broadcast %ne3A_544 : i32 to vector<8x128xi32>
    %ne3A_546 = arith.cmpi ne, %and3A_543, %ne3A_545 : vector<8x128xi32>
    %and3A_547 = arith.andi %eq3A_540, %ne3A_546 : vector<8x128xi1>
    %convert_element_type3A_548 = arith.extui %and3A_547 : vector<8x128xi1> to vector<8x128xi32>
    %reduce_sum3A_549 = vector.shape_cast %convert_element_type3A_548 : vector<8x128xi32> to vector<1x8x128xi32>
    %reduce_sum3A_550 = arith.constant dense<0> : vector<1xi32>
    %reduce_sum3A_551 = vector.multi_reduction <add>, %reduce_sum3A_549, %reduce_sum3A_550 [1, 2] : vector<1x8x128xi32> to vector<1xi32>
    %reduce_sum3A_552 = vector.shape_cast %reduce_sum3A_551 : vector<1xi32> to vector<1x1x1xi32>
    %reduce_sum3A_553 = vector.extract %reduce_sum3A_552[0, 0, 0] : i32 from vector<1x1x1xi32>
    %ge3A_554 = arith.cmpi sge, %reduce_sum3A_553, %select_n3A_534 : i32
    %or3A_555 = arith.constant 1024 : i32
    %or3A_556 = arith.ori %select_n3A_532, %or3A_555 : i32
    %select_n3A_557 = arith.select %ge3A_554, %or3A_556, %select_n3A_532 : i32
    %sub3A_558 = arith.subi %select_n3A_534, %reduce_sum3A_553 : i32
    %select_n3A_559 = arith.select %ge3A_554, %select_n3A_534, %sub3A_558 : i32
    %or3A_560 = arith.constant 1024 : i32
    %or3A_561 = arith.ori %or3A_536, %or3A_560 : i32
    %and3A_562 = vector.broadcast %or3A_561 : i32 to vector<8x128xi32>
    %and3A_563 = arith.andi %xor3A_11, %and3A_562 : vector<8x128xi32>
    %eq3A_564 = vector.broadcast %select_n3A_557 : i32 to vector<8x128xi32>
    %eq3A_565 = arith.cmpi eq, %and3A_563, %eq3A_564 : vector<8x128xi32>
    %and3A_566 = arith.constant 512 : i32
    %and3A_567 = vector.broadcast %and3A_566 : i32 to vector<8x128xi32>
    %and3A_568 = arith.andi %xor3A_11, %and3A_567 : vector<8x128xi32>
    %ne3A_569 = arith.constant 0 : i32
    %ne3A_570 = vector.broadcast %ne3A_569 : i32 to vector<8x128xi32>
    %ne3A_571 = arith.cmpi ne, %and3A_568, %ne3A_570 : vector<8x128xi32>
    %and3A_572 = arith.andi %eq3A_565, %ne3A_571 : vector<8x128xi1>
    %convert_element_type3A_573 = arith.extui %and3A_572 : vector<8x128xi1> to vector<8x128xi32>
    %reduce_sum3A_574 = vector.shape_cast %convert_element_type3A_573 : vector<8x128xi32> to vector<1x8x128xi32>
    %reduce_sum3A_575 = arith.constant dense<0> : vector<1xi32>
    %reduce_sum3A_576 = vector.multi_reduction <add>, %reduce_sum3A_574, %reduce_sum3A_575 [1, 2] : vector<1x8x128xi32> to vector<1xi32>
    %reduce_sum3A_577 = vector.shape_cast %reduce_sum3A_576 : vector<1xi32> to vector<1x1x1xi32>
    %reduce_sum3A_578 = vector.extract %reduce_sum3A_577[0, 0, 0] : i32 from vector<1x1x1xi32>
    %ge3A_579 = arith.cmpi sge, %reduce_sum3A_578, %select_n3A_559 : i32
    %or3A_580 = arith.constant 512 : i32
    %or3A_581 = arith.ori %select_n3A_557, %or3A_580 : i32
    %select_n3A_582 = arith.select %ge3A_579, %or3A_581, %select_n3A_557 : i32
    %sub3A_583 = arith.subi %select_n3A_559, %reduce_sum3A_578 : i32
    %select_n3A_584 = arith.select %ge3A_579, %select_n3A_559, %sub3A_583 : i32
    %or3A_585 = arith.constant 512 : i32
    %or3A_586 = arith.ori %or3A_561, %or3A_585 : i32
    %and3A_587 = vector.broadcast %or3A_586 : i32 to vector<8x128xi32>
    %and3A_588 = arith.andi %xor3A_11, %and3A_587 : vector<8x128xi32>
    %eq3A_589 = vector.broadcast %select_n3A_582 : i32 to vector<8x128xi32>
    %eq3A_590 = arith.cmpi eq, %and3A_588, %eq3A_589 : vector<8x128xi32>
    %and3A_591 = arith.constant 256 : i32
    %and3A_592 = vector.broadcast %and3A_591 : i32 to vector<8x128xi32>
    %and3A_593 = arith.andi %xor3A_11, %and3A_592 : vector<8x128xi32>
    %ne3A_594 = arith.constant 0 : i32
    %ne3A_595 = vector.broadcast %ne3A_594 : i32 to vector<8x128xi32>
    %ne3A_596 = arith.cmpi ne, %and3A_593, %ne3A_595 : vector<8x128xi32>
    %and3A_597 = arith.andi %eq3A_590, %ne3A_596 : vector<8x128xi1>
    %convert_element_type3A_598 = arith.extui %and3A_597 : vector<8x128xi1> to vector<8x128xi32>
    %reduce_sum3A_599 = vector.shape_cast %convert_element_type3A_598 : vector<8x128xi32> to vector<1x8x128xi32>
    %reduce_sum3A_600 = arith.constant dense<0> : vector<1xi32>
    %reduce_sum3A_601 = vector.multi_reduction <add>, %reduce_sum3A_599, %reduce_sum3A_600 [1, 2] : vector<1x8x128xi32> to vector<1xi32>
    %reduce_sum3A_602 = vector.shape_cast %reduce_sum3A_601 : vector<1xi32> to vector<1x1x1xi32>
    %reduce_sum3A_603 = vector.extract %reduce_sum3A_602[0, 0, 0] : i32 from vector<1x1x1xi32>
    %ge3A_604 = arith.cmpi sge, %reduce_sum3A_603, %select_n3A_584 : i32
    %or3A_605 = arith.constant 256 : i32
    %or3A_606 = arith.ori %select_n3A_582, %or3A_605 : i32
    %select_n3A_607 = arith.select %ge3A_604, %or3A_606, %select_n3A_582 : i32
    %sub3A_608 = arith.subi %select_n3A_584, %reduce_sum3A_603 : i32
    %select_n3A_609 = arith.select %ge3A_604, %select_n3A_584, %sub3A_608 : i32
    %or3A_610 = arith.constant 256 : i32
    %or3A_611 = arith.ori %or3A_586, %or3A_610 : i32
    %and3A_612 = vector.broadcast %or3A_611 : i32 to vector<8x128xi32>
    %and3A_613 = arith.andi %xor3A_11, %and3A_612 : vector<8x128xi32>
    %eq3A_614 = vector.broadcast %select_n3A_607 : i32 to vector<8x128xi32>
    %eq3A_615 = arith.cmpi eq, %and3A_613, %eq3A_614 : vector<8x128xi32>
    %and3A_616 = arith.constant 128 : i32
    %and3A_617 = vector.broadcast %and3A_616 : i32 to vector<8x128xi32>
    %and3A_618 = arith.andi %xor3A_11, %and3A_617 : vector<8x128xi32>
    %ne3A_619 = arith.constant 0 : i32
    %ne3A_620 = vector.broadcast %ne3A_619 : i32 to vector<8x128xi32>
    %ne3A_621 = arith.cmpi ne, %and3A_618, %ne3A_620 : vector<8x128xi32>
    %and3A_622 = arith.andi %eq3A_615, %ne3A_621 : vector<8x128xi1>
    %convert_element_type3A_623 = arith.extui %and3A_622 : vector<8x128xi1> to vector<8x128xi32>
    %reduce_sum3A_624 = vector.shape_cast %convert_element_type3A_623 : vector<8x128xi32> to vector<1x8x128xi32>
    %reduce_sum3A_625 = arith.constant dense<0> : vector<1xi32>
    %reduce_sum3A_626 = vector.multi_reduction <add>, %reduce_sum3A_624, %reduce_sum3A_625 [1, 2] : vector<1x8x128xi32> to vector<1xi32>
    %reduce_sum3A_627 = vector.shape_cast %reduce_sum3A_626 : vector<1xi32> to vector<1x1x1xi32>
    %reduce_sum3A_628 = vector.extract %reduce_sum3A_627[0, 0, 0] : i32 from vector<1x1x1xi32>
    %ge3A_629 = arith.cmpi sge, %reduce_sum3A_628, %select_n3A_609 : i32
    %or3A_630 = arith.constant 128 : i32
    %or3A_631 = arith.ori %select_n3A_607, %or3A_630 : i32
    %select_n3A_632 = arith.select %ge3A_629, %or3A_631, %select_n3A_607 : i32
    %sub3A_633 = arith.subi %select_n3A_609, %reduce_sum3A_628 : i32
    %select_n3A_634 = arith.select %ge3A_629, %select_n3A_609, %sub3A_633 : i32
    %or3A_635 = arith.constant 128 : i32
    %or3A_636 = arith.ori %or3A_611, %or3A_635 : i32
    %and3A_637 = vector.broadcast %or3A_636 : i32 to vector<8x128xi32>
    %and3A_638 = arith.andi %xor3A_11, %and3A_637 : vector<8x128xi32>
    %eq3A_639 = vector.broadcast %select_n3A_632 : i32 to vector<8x128xi32>
    %eq3A_640 = arith.cmpi eq, %and3A_638, %eq3A_639 : vector<8x128xi32>
    %and3A_641 = arith.constant 64 : i32
    %and3A_642 = vector.broadcast %and3A_641 : i32 to vector<8x128xi32>
    %and3A_643 = arith.andi %xor3A_11, %and3A_642 : vector<8x128xi32>
    %ne3A_644 = arith.constant 0 : i32
    %ne3A_645 = vector.broadcast %ne3A_644 : i32 to vector<8x128xi32>
    %ne3A_646 = arith.cmpi ne, %and3A_643, %ne3A_645 : vector<8x128xi32>
    %and3A_647 = arith.andi %eq3A_640, %ne3A_646 : vector<8x128xi1>
    %convert_element_type3A_648 = arith.extui %and3A_647 : vector<8x128xi1> to vector<8x128xi32>
    %reduce_sum3A_649 = vector.shape_cast %convert_element_type3A_648 : vector<8x128xi32> to vector<1x8x128xi32>
    %reduce_sum3A_650 = arith.constant dense<0> : vector<1xi32>
    %reduce_sum3A_651 = vector.multi_reduction <add>, %reduce_sum3A_649, %reduce_sum3A_650 [1, 2] : vector<1x8x128xi32> to vector<1xi32>
    %reduce_sum3A_652 = vector.shape_cast %reduce_sum3A_651 : vector<1xi32> to vector<1x1x1xi32>
    %reduce_sum3A_653 = vector.extract %reduce_sum3A_652[0, 0, 0] : i32 from vector<1x1x1xi32>
    %ge3A_654 = arith.cmpi sge, %reduce_sum3A_653, %select_n3A_634 : i32
    %or3A_655 = arith.constant 64 : i32
    %or3A_656 = arith.ori %select_n3A_632, %or3A_655 : i32
    %select_n3A_657 = arith.select %ge3A_654, %or3A_656, %select_n3A_632 : i32
    %sub3A_658 = arith.subi %select_n3A_634, %reduce_sum3A_653 : i32
    %select_n3A_659 = arith.select %ge3A_654, %select_n3A_634, %sub3A_658 : i32
    %or3A_660 = arith.constant 64 : i32
    %or3A_661 = arith.ori %or3A_636, %or3A_660 : i32
    %and3A_662 = vector.broadcast %or3A_661 : i32 to vector<8x128xi32>
    %and3A_663 = arith.andi %xor3A_11, %and3A_662 : vector<8x128xi32>
    %eq3A_664 = vector.broadcast %select_n3A_657 : i32 to vector<8x128xi32>
    %eq3A_665 = arith.cmpi eq, %and3A_663, %eq3A_664 : vector<8x128xi32>
    %and3A_666 = arith.constant 32 : i32
    %and3A_667 = vector.broadcast %and3A_666 : i32 to vector<8x128xi32>
    %and3A_668 = arith.andi %xor3A_11, %and3A_667 : vector<8x128xi32>
    %ne3A_669 = arith.constant 0 : i32
    %ne3A_670 = vector.broadcast %ne3A_669 : i32 to vector<8x128xi32>
    %ne3A_671 = arith.cmpi ne, %and3A_668, %ne3A_670 : vector<8x128xi32>
    %and3A_672 = arith.andi %eq3A_665, %ne3A_671 : vector<8x128xi1>
    %convert_element_type3A_673 = arith.extui %and3A_672 : vector<8x128xi1> to vector<8x128xi32>
    %reduce_sum3A_674 = vector.shape_cast %convert_element_type3A_673 : vector<8x128xi32> to vector<1x8x128xi32>
    %reduce_sum3A_675 = arith.constant dense<0> : vector<1xi32>
    %reduce_sum3A_676 = vector.multi_reduction <add>, %reduce_sum3A_674, %reduce_sum3A_675 [1, 2] : vector<1x8x128xi32> to vector<1xi32>
    %reduce_sum3A_677 = vector.shape_cast %reduce_sum3A_676 : vector<1xi32> to vector<1x1x1xi32>
    %reduce_sum3A_678 = vector.extract %reduce_sum3A_677[0, 0, 0] : i32 from vector<1x1x1xi32>
    %ge3A_679 = arith.cmpi sge, %reduce_sum3A_678, %select_n3A_659 : i32
    %or3A_680 = arith.constant 32 : i32
    %or3A_681 = arith.ori %select_n3A_657, %or3A_680 : i32
    %select_n3A_682 = arith.select %ge3A_679, %or3A_681, %select_n3A_657 : i32
    %sub3A_683 = arith.subi %select_n3A_659, %reduce_sum3A_678 : i32
    %select_n3A_684 = arith.select %ge3A_679, %select_n3A_659, %sub3A_683 : i32
    %or3A_685 = arith.constant 32 : i32
    %or3A_686 = arith.ori %or3A_661, %or3A_685 : i32
    %and3A_687 = vector.broadcast %or3A_686 : i32 to vector<8x128xi32>
    %and3A_688 = arith.andi %xor3A_11, %and3A_687 : vector<8x128xi32>
    %eq3A_689 = vector.broadcast %select_n3A_682 : i32 to vector<8x128xi32>
    %eq3A_690 = arith.cmpi eq, %and3A_688, %eq3A_689 : vector<8x128xi32>
    %and3A_691 = arith.constant 16 : i32
    %and3A_692 = vector.broadcast %and3A_691 : i32 to vector<8x128xi32>
    %and3A_693 = arith.andi %xor3A_11, %and3A_692 : vector<8x128xi32>
    %ne3A_694 = arith.constant 0 : i32
    %ne3A_695 = vector.broadcast %ne3A_694 : i32 to vector<8x128xi32>
    %ne3A_696 = arith.cmpi ne, %and3A_693, %ne3A_695 : vector<8x128xi32>
    %and3A_697 = arith.andi %eq3A_690, %ne3A_696 : vector<8x128xi1>
    %convert_element_type3A_698 = arith.extui %and3A_697 : vector<8x128xi1> to vector<8x128xi32>
    %reduce_sum3A_699 = vector.shape_cast %convert_element_type3A_698 : vector<8x128xi32> to vector<1x8x128xi32>
    %reduce_sum3A_700 = arith.constant dense<0> : vector<1xi32>
    %reduce_sum3A_701 = vector.multi_reduction <add>, %reduce_sum3A_699, %reduce_sum3A_700 [1, 2] : vector<1x8x128xi32> to vector<1xi32>
    %reduce_sum3A_702 = vector.shape_cast %reduce_sum3A_701 : vector<1xi32> to vector<1x1x1xi32>
    %reduce_sum3A_703 = vector.extract %reduce_sum3A_702[0, 0, 0] : i32 from vector<1x1x1xi32>
    %ge3A_704 = arith.cmpi sge, %reduce_sum3A_703, %select_n3A_684 : i32
    %or3A_705 = arith.constant 16 : i32
    %or3A_706 = arith.ori %select_n3A_682, %or3A_705 : i32
    %select_n3A_707 = arith.select %ge3A_704, %or3A_706, %select_n3A_682 : i32
    %sub3A_708 = arith.subi %select_n3A_684, %reduce_sum3A_703 : i32
    %select_n3A_709 = arith.select %ge3A_704, %select_n3A_684, %sub3A_708 : i32
    %or3A_710 = arith.constant 16 : i32
    %or3A_711 = arith.ori %or3A_686, %or3A_710 : i32
    %and3A_712 = vector.broadcast %or3A_711 : i32 to vector<8x128xi32>
    %and3A_713 = arith.andi %xor3A_11, %and3A_712 : vector<8x128xi32>
    %eq3A_714 = vector.broadcast %select_n3A_707 : i32 to vector<8x128xi32>
    %eq3A_715 = arith.cmpi eq, %and3A_713, %eq3A_714 : vector<8x128xi32>
    %and3A_716 = arith.constant 8 : i32
    %and3A_717 = vector.broadcast %and3A_716 : i32 to vector<8x128xi32>
    %and3A_718 = arith.andi %xor3A_11, %and3A_717 : vector<8x128xi32>
    %ne3A_719 = arith.constant 0 : i32
    %ne3A_720 = vector.broadcast %ne3A_719 : i32 to vector<8x128xi32>
    %ne3A_721 = arith.cmpi ne, %and3A_718, %ne3A_720 : vector<8x128xi32>
    %and3A_722 = arith.andi %eq3A_715, %ne3A_721 : vector<8x128xi1>
    %convert_element_type3A_723 = arith.extui %and3A_722 : vector<8x128xi1> to vector<8x128xi32>
    %reduce_sum3A_724 = vector.shape_cast %convert_element_type3A_723 : vector<8x128xi32> to vector<1x8x128xi32>
    %reduce_sum3A_725 = arith.constant dense<0> : vector<1xi32>
    %reduce_sum3A_726 = vector.multi_reduction <add>, %reduce_sum3A_724, %reduce_sum3A_725 [1, 2] : vector<1x8x128xi32> to vector<1xi32>
    %reduce_sum3A_727 = vector.shape_cast %reduce_sum3A_726 : vector<1xi32> to vector<1x1x1xi32>
    %reduce_sum3A_728 = vector.extract %reduce_sum3A_727[0, 0, 0] : i32 from vector<1x1x1xi32>
    %ge3A_729 = arith.cmpi sge, %reduce_sum3A_728, %select_n3A_709 : i32
    %or3A_730 = arith.constant 8 : i32
    %or3A_731 = arith.ori %select_n3A_707, %or3A_730 : i32
    %select_n3A_732 = arith.select %ge3A_729, %or3A_731, %select_n3A_707 : i32
    %sub3A_733 = arith.subi %select_n3A_709, %reduce_sum3A_728 : i32
    %select_n3A_734 = arith.select %ge3A_729, %select_n3A_709, %sub3A_733 : i32
    %or3A_735 = arith.constant 8 : i32
    %or3A_736 = arith.ori %or3A_711, %or3A_735 : i32
    %and3A_737 = vector.broadcast %or3A_736 : i32 to vector<8x128xi32>
    %and3A_738 = arith.andi %xor3A_11, %and3A_737 : vector<8x128xi32>
    %eq3A_739 = vector.broadcast %select_n3A_732 : i32 to vector<8x128xi32>
    %eq3A_740 = arith.cmpi eq, %and3A_738, %eq3A_739 : vector<8x128xi32>
    %and3A_741 = arith.constant 4 : i32
    %and3A_742 = vector.broadcast %and3A_741 : i32 to vector<8x128xi32>
    %and3A_743 = arith.andi %xor3A_11, %and3A_742 : vector<8x128xi32>
    %ne3A_744 = arith.constant 0 : i32
    %ne3A_745 = vector.broadcast %ne3A_744 : i32 to vector<8x128xi32>
    %ne3A_746 = arith.cmpi ne, %and3A_743, %ne3A_745 : vector<8x128xi32>
    %and3A_747 = arith.andi %eq3A_740, %ne3A_746 : vector<8x128xi1>
    %convert_element_type3A_748 = arith.extui %and3A_747 : vector<8x128xi1> to vector<8x128xi32>
    %reduce_sum3A_749 = vector.shape_cast %convert_element_type3A_748 : vector<8x128xi32> to vector<1x8x128xi32>
    %reduce_sum3A_750 = arith.constant dense<0> : vector<1xi32>
    %reduce_sum3A_751 = vector.multi_reduction <add>, %reduce_sum3A_749, %reduce_sum3A_750 [1, 2] : vector<1x8x128xi32> to vector<1xi32>
    %reduce_sum3A_752 = vector.shape_cast %reduce_sum3A_751 : vector<1xi32> to vector<1x1x1xi32>
    %reduce_sum3A_753 = vector.extract %reduce_sum3A_752[0, 0, 0] : i32 from vector<1x1x1xi32>
    %ge3A_754 = arith.cmpi sge, %reduce_sum3A_753, %select_n3A_734 : i32
    %or3A_755 = arith.constant 4 : i32
    %or3A_756 = arith.ori %select_n3A_732, %or3A_755 : i32
    %select_n3A_757 = arith.select %ge3A_754, %or3A_756, %select_n3A_732 : i32
    %sub3A_758 = arith.subi %select_n3A_734, %reduce_sum3A_753 : i32
    %select_n3A_759 = arith.select %ge3A_754, %select_n3A_734, %sub3A_758 : i32
    %or3A_760 = arith.constant 4 : i32
    %or3A_761 = arith.ori %or3A_736, %or3A_760 : i32
    %and3A_762 = vector.broadcast %or3A_761 : i32 to vector<8x128xi32>
    %and3A_763 = arith.andi %xor3A_11, %and3A_762 : vector<8x128xi32>
    %eq3A_764 = vector.broadcast %select_n3A_757 : i32 to vector<8x128xi32>
    %eq3A_765 = arith.cmpi eq, %and3A_763, %eq3A_764 : vector<8x128xi32>
    %and3A_766 = arith.constant 2 : i32
    %and3A_767 = vector.broadcast %and3A_766 : i32 to vector<8x128xi32>
    %and3A_768 = arith.andi %xor3A_11, %and3A_767 : vector<8x128xi32>
    %ne3A_769 = arith.constant 0 : i32
    %ne3A_770 = vector.broadcast %ne3A_769 : i32 to vector<8x128xi32>
    %ne3A_771 = arith.cmpi ne, %and3A_768, %ne3A_770 : vector<8x128xi32>
    %and3A_772 = arith.andi %eq3A_765, %ne3A_771 : vector<8x128xi1>
    %convert_element_type3A_773 = arith.extui %and3A_772 : vector<8x128xi1> to vector<8x128xi32>
    %reduce_sum3A_774 = vector.shape_cast %convert_element_type3A_773 : vector<8x128xi32> to vector<1x8x128xi32>
    %reduce_sum3A_775 = arith.constant dense<0> : vector<1xi32>
    %reduce_sum3A_776 = vector.multi_reduction <add>, %reduce_sum3A_774, %reduce_sum3A_775 [1, 2] : vector<1x8x128xi32> to vector<1xi32>
    %reduce_sum3A_777 = vector.shape_cast %reduce_sum3A_776 : vector<1xi32> to vector<1x1x1xi32>
    %reduce_sum3A_778 = vector.extract %reduce_sum3A_777[0, 0, 0] : i32 from vector<1x1x1xi32>
    %ge3A_779 = arith.cmpi sge, %reduce_sum3A_778, %select_n3A_759 : i32
    %or3A_780 = arith.constant 2 : i32
    %or3A_781 = arith.ori %select_n3A_757, %or3A_780 : i32
    %select_n3A_782 = arith.select %ge3A_779, %or3A_781, %select_n3A_757 : i32
    %sub3A_783 = arith.subi %select_n3A_759, %reduce_sum3A_778 : i32
    %select_n3A_784 = arith.select %ge3A_779, %select_n3A_759, %sub3A_783 : i32
    %or3A_785 = arith.constant 2 : i32
    %or3A_786 = arith.ori %or3A_761, %or3A_785 : i32
    %and3A_787 = vector.broadcast %or3A_786 : i32 to vector<8x128xi32>
    %and3A_788 = arith.andi %xor3A_11, %and3A_787 : vector<8x128xi32>
    %eq3A_789 = vector.broadcast %select_n3A_782 : i32 to vector<8x128xi32>
    %eq3A_790 = arith.cmpi eq, %and3A_788, %eq3A_789 : vector<8x128xi32>
    %and3A_791 = arith.constant 1 : i32
    %and3A_792 = vector.broadcast %and3A_791 : i32 to vector<8x128xi32>
    %and3A_793 = arith.andi %xor3A_11, %and3A_792 : vector<8x128xi32>
    %ne3A_794 = arith.constant 0 : i32
    %ne3A_795 = vector.broadcast %ne3A_794 : i32 to vector<8x128xi32>
    %ne3A_796 = arith.cmpi ne, %and3A_793, %ne3A_795 : vector<8x128xi32>
    %and3A_797 = arith.andi %eq3A_790, %ne3A_796 : vector<8x128xi1>
    %convert_element_type3A_798 = arith.extui %and3A_797 : vector<8x128xi1> to vector<8x128xi32>
    %reduce_sum3A_799 = vector.shape_cast %convert_element_type3A_798 : vector<8x128xi32> to vector<1x8x128xi32>
    %reduce_sum3A_800 = arith.constant dense<0> : vector<1xi32>
    %reduce_sum3A_801 = vector.multi_reduction <add>, %reduce_sum3A_799, %reduce_sum3A_800 [1, 2] : vector<1x8x128xi32> to vector<1xi32>
    %reduce_sum3A_802 = vector.shape_cast %reduce_sum3A_801 : vector<1xi32> to vector<1x1x1xi32>
    %reduce_sum3A_803 = vector.extract %reduce_sum3A_802[0, 0, 0] : i32 from vector<1x1x1xi32>
    %ge3A_804 = arith.cmpi sge, %reduce_sum3A_803, %select_n3A_784 : i32
    %or3A_805 = arith.constant 1 : i32
    %or3A_806 = arith.ori %select_n3A_782, %or3A_805 : i32
    %select_n3A_807 = arith.select %ge3A_804, %or3A_806, %select_n3A_782 : i32
    %xor3A_808 = arith.constant -2147483648 : i32
    %xor3A_809 = arith.xori %select_n3A_807, %xor3A_808 : i32
    %gt3A = vector.broadcast %xor3A_809 : i32 to vector<8x128xi32>
    %gt3A_810 = arith.cmpi sgt, %select_n3A, %gt3A : vector<8x128xi32>
    %jit3A_811 = arith.constant 0.000000e+00 : f32
    %broadcast_in_dim3A = vector.broadcast %jit3A_811 : f32 to vector<8x128xf32>
    %select_n3A_812 = arith.select %gt3A_810, %sub3A, %broadcast_in_dim3A : vector<8x128xi1>, vector<8x128xf32>
    %reduce_sum3A_813 = vector.shape_cast %select_n3A_812 : vector<8x128xf32> to vector<1x8x128xf32>
    %reduce_sum3A_814 = arith.constant dense<0.000000e+00> : vector<1xf32>
    %reduce_sum3A_815 = vector.multi_reduction <add>, %reduce_sum3A_813, %reduce_sum3A_814 [1, 2] : vector<1x8x128xf32> to vector<1xf32>
    %reduce_sum3A_816 = vector.shape_cast %reduce_sum3A_815 : vector<1xf32> to vector<1x1x1xf32>
    %reduce_sum3A_817 = vector.extract %reduce_sum3A_816[0, 0, 0] : f32 from vector<1x1x1xf32>
    %convert_element_type3A_818 = arith.extui %gt3A_810 : vector<8x128xi1> to vector<8x128xi32>
    %reduce_sum3A_819 = vector.shape_cast %convert_element_type3A_818 : vector<8x128xi32> to vector<1x8x128xi32>
    %reduce_sum3A_820 = arith.constant dense<0> : vector<1xi32>
    %reduce_sum3A_821 = vector.multi_reduction <add>, %reduce_sum3A_819, %reduce_sum3A_820 [1, 2] : vector<1x8x128xi32> to vector<1xi32>
    %reduce_sum3A_822 = vector.shape_cast %reduce_sum3A_821 : vector<1xi32> to vector<1x1x1xi32>
    %reduce_sum3A_823 = vector.extract %reduce_sum3A_822[0, 0, 0] : i32 from vector<1x1x1xi32>
    %eq3A_824 = vector.broadcast %xor3A_809 : i32 to vector<8x128xi32>
    %eq3A_825 = arith.cmpi eq, %select_n3A, %eq3A_824 : vector<8x128xi32>
    %jit3A_826 = arith.constant 0xFF800000 : f32
    %broadcast_in_dim3A_827 = vector.broadcast %jit3A_826 : f32 to vector<8x128xf32>
    %select_n3A_828 = arith.select %eq3A_825, %sub3A, %broadcast_in_dim3A_827 : vector<8x128xi1>, vector<8x128xf32>
    %reduce_max3A = vector.shape_cast %select_n3A_828 : vector<8x128xf32> to vector<1x8x128xf32>
    %reduce_max3A_829 = arith.constant dense<0xFF800000> : vector<1xf32>
    %reduce_max3A_830 = vector.multi_reduction <maximumf>, %reduce_max3A, %reduce_max3A_829 [1, 2] : vector<1x8x128xf32> to vector<1xf32>
    %reduce_max3A_831 = vector.shape_cast %reduce_max3A_830 : vector<1xf32> to vector<1x1x1xf32>
    %reduce_max3A_832 = vector.extract %reduce_max3A_831[0, 0, 0] : f32 from vector<1x1x1xf32>
    %sub3A_833 = arith.constant 512 : i32
    %sub3A_834 = arith.subi %sub3A_833, %reduce_sum3A_823 : i32
    %convert_element_type3A_835 = arith.sitofp %sub3A_834 : i32 to f32
    %mul3A = arith.mulf %convert_element_type3A_835, %reduce_max3A_832 : f32
    %add3A = arith.addf %reduce_sum3A_817, %mul3A : f32
    %div3A = arith.constant 5.120000e+02 : f32
    %div3A_836 = arith.divf %add3A, %div3A : f32
    %broadcast_in_dim3A_837 = vector.broadcast %div3A_836 : f32 to vector<1x1xf32>
    %swap3A = arith.constant 0 : index
    %swap3A_838 = arith.constant 0 : index
    %swap3A_839 = vector.load %arg2[%swap3A, %swap3A_838] : memref<1x1xf32, #tpu.memory_space<vmem>>, vector<1x1xf32>
    tpu.vector_store %arg2[%swap3A, %swap3A_838], %broadcast_in_dim3A_837 {strides = array<i32>} : memref<1x1xf32, #tpu.memory_space<vmem>>, vector<1x1xf32>,
    return
  }
}

module attributes {stable_mosaic.version = 14 : i64} {
  func.func @_pick_extract_body(%arg0: i32, %arg1: memref<128x1024xf32, #tpu.memory_space<vmem>>, %arg2: memref<128x1xf32, #tpu.memory_space<vmem>>) attributes {dimension_semantics = [#tpu.dimension_semantics<arbitrary>], iteration_bounds = array<i64: 8>, scalar_prefetch = 0 : i64, scratch_operands = 0 : i64, tpu.core_type = #tpu.core_type<tc>, window_params = [{transform_indices = @transform_0, window_bounds = array<i64: 128, 1024>}, {transform_indices = @transform_1, window_bounds = array<i64: 128, 1>}]} {
    %iota3A = tpu.iota {dimensions = array<i32: 1>} : vector<128x1024xi32>
    %iota3A_0 = tpu.iota {dimensions = array<i32: 0>} : vector<128x1024xi32>
    %mul3A = arith.constant 128 : i32
    %mul3A_1 = arith.muli %arg0, %mul3A : i32
    %add3A = vector.broadcast %mul3A_1 : i32 to vector<128x1024xi32>
    %add3A_2 = arith.addi %iota3A_0, %add3A : vector<128x1024xi32>
    %eq3A = arith.cmpi eq, %iota3A, %add3A_2 : vector<128x1024xi32>
    %get3A = arith.constant 0 : index
    %get3A_3 = arith.constant 0 : index
    %get3A_4 = vector.load %arg1[%get3A, %get3A_3] : memref<128x1024xf32, #tpu.memory_space<vmem>>, vector<128x1024xf32>
    %jit3A = arith.constant 0.000000e+00 : f32
    %broadcast_in_dim3A = vector.broadcast %jit3A : f32 to vector<128x1024xf32>
    %select_n3A = arith.select %eq3A, %get3A_4, %broadcast_in_dim3A : vector<128x1024xi1>, vector<128x1024xf32>
    %reduce_sum3A = arith.constant dense<0.000000e+00> : vector<128xf32>
    %reduce_sum3A_5 = vector.multi_reduction <add>, %select_n3A, %reduce_sum3A [1] : vector<128x1024xf32> to vector<128xf32>
    %broadcast_in_dim3A_6 = vector.shape_cast %reduce_sum3A_5 : vector<128xf32> to vector<128x1xf32>
    %swap3A = arith.constant 0 : index
    %swap3A_7 = arith.constant 0 : index
    %swap3A_8 = vector.load %arg2[%swap3A, %swap3A_7] : memref<128x1xf32, #tpu.memory_space<vmem>>, vector<128x1xf32>
    tpu.vector_store %arg2[%swap3A, %swap3A_7], %broadcast_in_dim3A_6 {strides = array<i32>} : memref<128x1xf32, #tpu.memory_space<vmem>>, vector<128x1xf32>,
    return
  }
  func.func @transform_0(%arg0: i32) -> (i32, i32) {
    %c0_i32 = arith.constant 0 : i32
    %c0_i32_0 = arith.constant 0 : i32
    return %arg0, %c0_i32 : i32, i32
  }
  func.func @transform_1(%arg0: i32) -> (i32, i32) {
    %c0_i32 = arith.constant 0 : i32
    %c0_i32_0 = arith.constant 0 : i32
    return %arg0, %c0_i32 : i32, i32
  }
}

module attributes {stable_mosaic.version = 14 : i64} {
  func.func @_lse_body(%arg0: i32, %arg1: memref<2000x1024xf32, #tpu.memory_space<vmem>>, %arg2: memref<1x1024xf32, #tpu.memory_space<vmem>>, %arg3: memref<8x1024xf32, #tpu.memory_space<vmem>>) attributes {dimension_semantics = [#tpu.dimension_semantics<arbitrary>], iteration_bounds = array<i64: 50>, scalar_prefetch = 0 : i64, scratch_operands = 1 : i64, tpu.core_type = #tpu.core_type<tc>, window_params = [{transform_indices = @transform_0, window_bounds = array<i64: 2000, 1024>}, {pipeline_mode = #tpu.pipeline_mode<synchronous>, transform_indices = @transform_1, window_bounds = array<i64: 1, 1024>}]} {
    %eq3A = arith.constant 0 : i32
    %eq3A_0 = arith.cmpi eq, %arg0, %eq3A : i32
    %convert_element_type3A = arith.extui %eq3A_0 : i1 to i32
    %cond3A = arith.constant 0 : i32
    %cond3A_1 = arith.cmpi ne, %convert_element_type3A, %cond3A : i32
    scf.if %cond3A_1 {
      %broadcast_in_dim3A_17 = arith.constant 0.000000e+00 : f32
      %broadcast_in_dim3A_18 = vector.broadcast %broadcast_in_dim3A_17 : f32 to vector<8x1024xf32>
      %swap3A_19 = arith.constant 0 : index
      %swap3A_20 = arith.constant 0 : index
      %swap3A_21 = vector.load %arg3[%swap3A_19, %swap3A_20] : memref<8x1024xf32, #tpu.memory_space<vmem>>, vector<8x1024xf32>
      tpu.vector_store %arg3[%swap3A_19, %swap3A_20], %broadcast_in_dim3A_18 {strides = array<i32>} : memref<8x1024xf32, #tpu.memory_space<vmem>>, vector<8x1024xf32>,
    } else {
    }
    %broadcast_in_dim3A = arith.constant 0.000000e+00 : f32
    %broadcast_in_dim3A_2 = vector.broadcast %broadcast_in_dim3A : f32 to vector<8x1024xf32>
    %scan3A = arith.constant 0 : i32
    %scan3A_3 = arith.constant 250 : i32
    %scan3A_4 = arith.addi %scan3A, %scan3A_3 : i32
    %scan3A_5 = arith.constant 1 : i32
    %scan3A_6 = scf.for %scan3A_17 = %scan3A to %scan3A_4 step %scan3A_5 iter_args(%scan3A_18 = %broadcast_in_dim3A_2) -> (vector<8x1024xf32>)  : i32 {
      %mul3A = arith.constant 8 : i32
      %mul3A_19 = arith.muli %scan3A_17, %mul3A : i32
      %get3A_20 = arith.index_cast %mul3A_19 : i32 to index
      %get3A_21 = arith.constant 0 : index
      %get3A_22 = vector.load %arg1[%get3A_20, %get3A_21] : memref<2000x1024xf32, #tpu.memory_space<vmem>>, vector<8x1024xf32>
      %exp3A = math.exp %get3A_22 : vector<8x1024xf32>
      %add3A_23 = arith.addf %scan3A_18, %exp3A : vector<8x1024xf32>
      scf.yield %add3A_23 : vector<8x1024xf32>
    }
    %scan3A_7 = arith.constant 250 : i32
    %get3A = arith.constant 0 : index
    %get3A_8 = arith.constant 0 : index
    %get3A_9 = vector.load %arg3[%get3A, %get3A_8] : memref<8x1024xf32, #tpu.memory_space<vmem>>, vector<8x1024xf32>
    %add3A = arith.addf %get3A_9, %scan3A_6 : vector<8x1024xf32>
    %swap3A = arith.constant 0 : index
    %swap3A_10 = arith.constant 0 : index
    %swap3A_11 = vector.load %arg3[%swap3A, %swap3A_10] : memref<8x1024xf32, #tpu.memory_space<vmem>>, vector<8x1024xf32>
    tpu.vector_store %arg3[%swap3A, %swap3A_10], %add3A {strides = array<i32>} : memref<8x1024xf32, #tpu.memory_space<vmem>>, vector<8x1024xf32>,
    %eq3A_12 = arith.constant 49 : i32
    %eq3A_13 = arith.cmpi eq, %arg0, %eq3A_12 : i32
    %convert_element_type3A_14 = arith.extui %eq3A_13 : i1 to i32
    %cond3A_15 = arith.constant 0 : i32
    %cond3A_16 = arith.cmpi ne, %convert_element_type3A_14, %cond3A_15 : i32
    scf.if %cond3A_16 {
      %get3A_17 = arith.constant 0 : index
      %get3A_18 = arith.constant 0 : index
      %get3A_19 = vector.load %arg3[%get3A_17, %get3A_18] : memref<8x1024xf32, #tpu.memory_space<vmem>>, vector<8x1024xf32>
      %reduce_sum3A = arith.constant dense<0.000000e+00> : vector<1024xf32>
      %reduce_sum3A_20 = vector.multi_reduction <add>, %get3A_19, %reduce_sum3A [0] : vector<8x1024xf32> to vector<1024xf32>
      %broadcast_in_dim3A_21 = vector.shape_cast %reduce_sum3A_20 : vector<1024xf32> to vector<1x1024xf32>
      %log3A = math.log %broadcast_in_dim3A_21 : vector<1x1024xf32>
      %swap3A_22 = arith.constant 0 : index
      %swap3A_23 = arith.constant 0 : index
      %swap3A_24 = vector.load %arg2[%swap3A_22, %swap3A_23] : memref<1x1024xf32, #tpu.memory_space<vmem>>, vector<1x1024xf32>
      tpu.vector_store %arg2[%swap3A_22, %swap3A_23], %log3A {strides = array<i32>} : memref<1x1024xf32, #tpu.memory_space<vmem>>, vector<1x1024xf32>,
    } else {
    }
    return
  }
  func.func @transform_0(%arg0: i32) -> (i32, i32) {
    %c0_i32 = arith.constant 0 : i32
    %c0_i32_0 = arith.constant 0 : i32
    return %arg0, %c0_i32 : i32, i32
  }
  func.func @transform_1(%arg0: i32) -> (i32, i32) {
    %c0_i32 = arith.constant 0 : i32
    %c0_i32_0 = arith.constant 0 : i32
    %c0_i32_1 = arith.constant 0 : i32
    return %c0_i32, %c0_i32_0 : i32, i32
  }
}

</mosaic_0001>

<sc_bundles>
// kernel: kernel.6.cloned.1.call-start
scs
__scs_entry_jumppad:
0x0: {  	(pc) =	sbr.rel $0x88, $3  }
0x1: {  	(tag) =	ssettag $0x0;
	lr =	simm.s32 $0x1  }
0x2: {  	[smem:$0x3F9F] =	sst lr;
	_ =	strace $0xD0000000  }
0x3: {  	_ = 	snop  }
0x4: {  	_ = 	snop  }
0x5: {  	_ = 	snop  }
0x6: {  	_ = 	snop  }
0x7: {  	_ = 	snop  }
__scs_overlays_trampoline_lowered:
0x8: {  	[smem:$0x3FAE] =	sst s0  }
0x9: {  	[smem:$0x3FAF] =	sst s1  }
0xa: {  	[smem:$0x3FB0] =	sst s2  }
0xb: {  	[smem:$0x3FB1] =	sst s3  }
0xc: {  	[smem:$0x3FB2] =	sst s4  }
0xd: {  	[smem:$0x3FB3] =	sst s5  }
0xe: {  	[smem:$0x3FB4] =	sst s6  }
0xf: {  	[smem:$0x3FB5] =	sst s7  }
0x10: {  	[smem:$0x3FB6] =	sst s8  }
0x11: {  	[smem:$0x3FB7] =	sst s9;
	s0 =	simm.s32 @!p0 $0x0  }
0x12: {  	s1 =	sld [smem:$0x3F9D];
	s0 =	simm.s32 @p0 $0x1  }
0x13: {  	[smem:$0x3FB8] =	sst s0;
	s0 =	simm.s32 @!p1 $0x0  }
0x14: {  	s2 =	sld [smem:$0x3F9C];
	s0 =	simm.s32 @p1 $0x1  }
0x15: {  	[smem:$0x3FB9] =	sst s0;
	s0 =	simm.s32 @!p2 $0x0  }
0x16: {  	s3 =	sld [smem:$0x3FDB];
	s0 =	simm.s32 @p2 $0x1  }
0x17: {  	s4 =	simm.s32 $0x1BF5;
	[smem:$0x3FBB] =	sst s0  }
0x18: {  	s0 =	sld [smem:$0x3F9E];
	_ =	swait.ge [sflag:s4], $0x0  }
0x19: {  	s7 =	sld [smem:$0x3F9F]  }
0x1a: {  	s8 =	sadd.s32 $0xFFFFE003, lr  }
0x1b: {  	s9 =	sadd.s32 $0xFFFFFEF7, lr;
	s5 =	simm.s32 $0xFFFFFFFF;
	p2 =	slt.u32 s8, $0xFFFFF086  }
0x1c: {  	p1 =	slt.u32 s9, $0xF7A;
	s5 =	simm.s32 @!p2 $0x0  }
0x1d: {  	s5 =	simm.s32 @p1 $0x1;
	p0 =	seq.s32 s7, s2  }
0x1e: {  	s7 =	smul.u32 @!p0 $0xF7A, s2;
	p2 =	seq.s32 @!p0 s5, $0x0  }
0x1f: {  	s9 =	smul.u32 $0xF7A, s1;
	s8 =	simm.s32 @!p0 $0x1BF5;
	p2 =	por !p2, p0  }
0x20: {  	[sflag:s8] =	ssyncset.s32 @!p0 $0xFFFFF086;
	s6 =	sadd.s32 @!p0 s3, s7;
	s7 =	simm.s32 @!p0 $0x108  }
0x21: {  	s3 =	sadd.s32 s3, s9;
	s6 =	sadd.s32 @!p0 $0x88, s6;
	s7 =	simm.s32 @p2 $0x1082  }
0x22: {  	[simem:s7], [sflag:s8] =	dma.local @!p0 [hbm:s6], $0xF7A  }
0x23: {  	s9 =	sor.u32 $0xD0000000, s2;
	s6 =	simm.s32 $0x108;
	_ =	swait.ge @!p0 [sflag:s8], $0x0  }
0x24: {  	s3 =	sadd.s32 $0x88, s3;
	s6 =	simm.s32 @!p1 $0x1082;
	[sflag:s4] =	ssyncset.s32 $0xFFFFF086  }
0x25: {  	[simem:s6], [sflag:s4] =	dma.local [hbm:s3], $0xF7A  }
0x26: {  	[smem:$0x3F9F] =	sst s1;
	(tag) =	ssettag s2;
	_ =	strace s9  }
0x27: {  	s1 =	sld [smem:$0x3FAF]  }
0x28: {  	s2 =	sld [smem:$0x3FB0]  }
0x29: {  	s4 =	sld [smem:$0x3FB2]  }
0x2a: {  	p0 =	seq.s32 s5, $0x0;
	s5 =	sld [smem:$0x3FB3]  }
0x2b: {  	s6 =	sld [smem:$0x3FB4]  }
0x2c: {  	s7 =	sld [smem:$0x3FB5]  }
0x2d: {  	s3 =	simm.s32 $0x108;
	s8 =	sld [smem:$0x3FB6]  }
0x2e: {  	s3 =	simm.s32 @!p0 $0x1082;
	s9 =	sld [smem:$0x3FB7]  }
0x2f: {  	lr =	sadd.s32 s0, s3;
	s0 =	sld [smem:$0x3FAE]  }
0x30: {  	s3 =	sld [smem:$0x3FB1]  }
0x31: {  	[smem:$0x3FBA] =	sst s10  }
0x32: {  	s10 =	sld [smem:$0x3FB8];
	_ =	sdelay $0x3  }
0x33: {  	p0 =	seq.s32 s10, $0x1;
	s10 =	sld [smem:$0x3FBA];
	_ =	sdelay $0x3  }
0x34: {  	[smem:$0x3FBA] =	sst s10  }
0x35: {  	s10 =	sld [smem:$0x3FB9];
	_ =	sdelay $0x3  }
0x36: {  	p1 =	seq.s32 s10, $0x1;
	s10 =	sld [smem:$0x3FBA];
	_ =	sdelay $0x3  }
0x37: {  	[smem:$0x3FBA] =	sst s10  }
0x38: {  	s10 =	sld [smem:$0x3FBB]  }
0x39: {  	_ = 	snop;
	(pc) =	sbr.ind lr, $3  }
0x3a: {  	_ = 	snop  }
0x3b: {  	_ = 	snop  }
0x3c: {  	p2 =	seq.s32 s10, $0x1;
	s10 =	sld [smem:$0x3FBA]  }
0x3d: {  	_ =	shalt  }
0x3e: {  	_ =	shalt  }
0x3f: {  	_ =	shalt  }
0x40: {  	_ =	shalt  }
0x41: {  	_ =	shalt  }
0x42: {  	_ =	shalt  }
0x43: {  	_ =	shalt  }
0x44: {  	_ =	shalt  }
0x45: {  	_ =	shalt  }
0x46: {  	_ =	shalt  }
0x47: {  	_ =	shalt  }
0x48: {  	_ =	shalt  }
0x49: {  	_ =	shalt  }
0x4a: {  	_ =	shalt  }
0x4b: {  	_ =	shalt  }
0x4c: {  	_ =	shalt  }
0x4d: {  	_ =	shalt  }
0x4e: {  	_ =	shalt  }
0x4f: {  	_ =	shalt  }
0x50: {  	_ =	shalt  }
0x51: {  	_ =	shalt  }
0x52: {  	_ =	shalt  }
0x53: {  	_ =	shalt  }
0x54: {  	_ =	shalt  }
0x55: {  	_ =	shalt  }
0x56: {  	_ =	shalt  }
0x57: {  	_ =	shalt  }
0x58: {  	_ =	shalt  }
0x59: {  	_ =	shalt  }
0x5a: {  	_ =	shalt  }
0x5b: {  	_ =	shalt  }
0x5c: {  	_ =	shalt  }
0x5d: {  	_ =	shalt  }
0x5e: {  	_ =	shalt  }
0x5f: {  	_ =	shalt  }
0x60: {  	_ =	shalt  }
0x61: {  	_ =	shalt  }
0x62: {  	_ =	shalt  }
0x63: {  	_ =	shalt  }
0x64: {  	_ =	shalt  }
0x65: {  	_ =	shalt  }
0x66: {  	_ =	shalt  }
0x67: {  	_ =	shalt  }
0x68: {  	_ =	shalt  }
0x69: {  	_ =	shalt  }
0x6a: {  	_ =	shalt  }
0x6b: {  	_ =	shalt  }
0x6c: {  	_ =	shalt  }
0x6d: {  	_ =	shalt  }
0x6e: {  	_ =	shalt  }
0x6f: {  	_ =	shalt  }
0x70: {  	_ =	shalt  }
0x71: {  	_ =	shalt  }
0x72: {  	_ =	shalt  }
0x73: {  	_ =	shalt  }
0x74: {  	_ =	shalt  }
0x75: {  	_ =	shalt  }
0x76: {  	_ =	shalt  }
0x77: {  	_ =	shalt  }
0x78: {  	_ =	shalt  }
0x79: {  	_ =	shalt  }
0x7a: {  	_ =	shalt  }
0x7b: {  	_ =	shalt  }
0x7c: {  	_ =	shalt  }
0x7d: {  	_ =	shalt  }
0x7e: {  	_ =	shalt  }
0x7f: {  	_ =	shalt  }
0x80: {  	_ =	shalt  }
0x81: {  	_ =	shalt  }
0x82: {  	_ =	shalt  }
0x83: {  	_ =	shalt  }
0x84: {  	_ =	shalt  }
0x85: {  	_ =	shalt  }
0x86: {  	_ =	shalt  }
0x87: {  	_ =	shalt  }
.Lfunc_end0:
.L_simem_size_0:
called_computation_lowered:
.L_overlay_start_0:
0x88: {  	s2 =	sld [smem:$0x3FD9]  }
0x89: {  	s3 =	sld [smem:$0x3FFE];
	_ =	sdelay $0x1  }
0x8a: {  	s1 =	srdreg.scid  }
0x8b: {  	s0 =	sand.u32 $0x1, s1  }
0x8c: {  	s17 =	sshll.u32 s0, $0xA;
	s2 =	sadd.s32 s3, s2  }
0x8d: {  	s2 =	sadd.s32 s2, s17  }
0x8e: {  	[smem:$0x3FC6] =	sst s2  }
0x8f: {  	_ = 	snop  }
0x90: {  	s2 =	sld [smem:$0x3FC9]  }
0x91: {  	s18 =	sld [smem:$0x3FC8];
	(tm) =	ssettm $0x1  }
0x92: {  	s4 =	sld [smem:$0x3FFB];
	_ =	sdelay $0x3  }
0x93: {  	_ =	strace s4  }
0x94: {  	s4 =	sld [smem:$0x3FFC];
	_ =	sdelay $0x3  }
0x95: {  	_ =	strace s4  }
0x96: {  	s4 =	sld [smem:$0x3FFD];
	_ =	sdelay $0x3  }
0x97: {  	_ =	strace s4  }
0x98: {  	_ =	strace $0x8FFFFFFF  }
0x99: {  	s19 =	sld [smem:$0x3FDB];
	_ =	sdelay $0x1  }
0x9a: {  	s5 =	simm.s32 $_scs_section_size  }
0x9b: {  	s6 =	simm.s32 $_size__tile_overlayer_lowered;
	s7 =	simm.s32 $_tile_overlayer_lowered  }
0x9c: {  	s22 =	simm.s32 $0x1BFF;
	s21 =	sshll.u32 s7, $0x1;
	s4 =	sadd.s32 s5, s19  }
0x9d: {  	s8 =	simm.s32 $0x0;
	s20 =	sshll.u32 s6, $0x1;
	s6 =	sadd.s32 s21, s4  }
0x9e: {  	[timem:s8], [sflag:s22] =	dma.local [hbm:s6], s20  }
0x9f: {  	_ =	swait.ge [sflag:s22], s20  }
0xa0: {  	s5 =	ssub.s32 $0x0, s20;
	[sflag:s22] =	ssyncset.done $0x0  }
0xa1: {  	[sflag:s22] =	ssyncadd.s32 s5;
	_ =	sdelay $0x1  }
0xa2: {  	s23 =	simm.s32 $0x1B8B  }
0xa3: {  	_ =	swait.ge [sflag:s23], $0x1  }
0xa4: {  	[sflag:s23] =	ssyncset.done $0x0  }
0xa5: {  	s25 =	simm.s32 $0x1B8E;
	s24 =	sld [smem:$0x3FFE];
	[sflag:s23] =	ssyncadd.s32 $0xFFFFFFFF  }
0xa6: {  	s26 =	simm.s32 $execute0_lowered;
	[smem:$0x3FD2] =	sst s25  }
0xa7: {  	s6 =	sshll.u32 s26, $0x1;
	_ =	strace $0x80000046;
	[dreg:$0x1] =	wrdreg $0xFFFFFFFF  }
0xa8: {  	s28 =	simm.s32 $_size_execute0_lowered;
	s4 =	sadd.s32 s4, s6;
	[dreg:$0x0] =	wrdreg $0x0  }
0xa9: {  	s6 =	sshll.u32 s28, $0x1;
	[dreg:$0x2] =	wrdreg s4  }
0xaa: {  	[dreg:$0x3] =	wrdreg s6  }
0xab: {  	[dreg:$0x4] =	wrdreg $0xC0  }
0xac: {  	_ =	task [dreg:s8], $0x5FFFF  }
0xad: {  	[dreg:$0x1] =	wrdreg $0xFFFFFFFF  }
0xae: {  	[dreg:$0x0] =	wrdreg $0x60  }
0xaf: {  	[dreg:$0x2] =	wrdreg s2  }
0xb0: {  	[dreg:$0x3] =	wrdreg s18  }
0xb1: {  	[dreg:$0x4] =	wrdreg s24  }
0xb2: {  	[dreg:$0x5] =	wrdreg $0x9  }
0xb3: {  	_ =	task.clear_ibuf [dreg:s8], $0x6FFFF;
	_ =	strace $0x90000046  }
0xb4: {  	s29 =	simm.s32 $0x9;
	_ =	strace $0x80000048  }
0xb5: {  	_ =	swait.ge [sflag:s29], $0x1  }
0xb6: {  	[sflag:s29] =	ssyncadd.s32 $0xFFFFFFFF  }
0xb7: {  	_ =	strace $0x90000048  }
0xb8: {  	_ =	sfence  }
0xb9: {  	s30 =	sld [smem:$0x0];
	_ =	sdelay $0x2  }
0xba: {  	s31 =	sshll.u32 s1, $0xD;
	s1 =	sshrl.u32 s1, $0x2  }
0xbb: {  	s3 =	sand.u32 $0x4000, s31;
	s1 =	sadd.s32 s1, s30  }
0xbc: {  	s0 =	sor.u32 s3, s0;
	s1 =	sshll.u32 s1, $0x11  }
0xbd: {  	s0 =	sor.u32 s1, s0  }
0xbe: {  	s0 =	sadd.s32 $0x8F2B, s0  }
0xbf: {  	[sflag:s0] =	ssyncadd.remote.s32 $0x1  }
0xc0: {  	_ =	sfence.sel $0xFFFF  }
0xc1: {  	[dreg:$0x0] =	wrdreg $0xFFFFFFFF;
	(pc) =	sbr.abs _section_cstart, $3  }
0xc2: {  	[dreg:$0x1] =	wrdreg $0xFFFFFFFF  }
0xc3: {  	_ =	task.clear_ibuf [dreg:s8], $0x2FFFF;
	_ =	strace $0x9FFFFFFF  }
0xc4: {  	(tm) =	ssettm $0x7FFFFFFF  }
0xc5: {  	_ =	shalt  }
tec
execute0_lowered:
.L_overlay_start_1:
0x0: {  	(tag) =	ssettag $0x1  }
0x1: {  	s1 =	rddreg [dreg:$0x0]  }
0x2: {  	s4 =	rddreg [dreg:$0x1]  }
0x3: {  	s5 =	rddreg [dreg:$0x2];
	s3 =	srdreg.scid  }
0x4: {  	s0 =	rddreg [dreg:$0x3];
	s2 =	stileid.u32;
	s10 =	simm.s32 $0x2  }
0x5: {  	s11 =	simm.s32 $0x80;
	s12 =	simm.s32 $0x880;
	s13 =	simm.s32 $0x1080  }
0x6: {  	s14 =	simm.s32 $0x1880;
	s15 =	simm.s32 $0x2080;
	s16 =	simm.s32 $0x2880  }
0x7: {  	s17 =	simm.s32 $0x3080;
	s18 =	simm.s32 $0x3880;
	s19 =	simm.s32 $0x4080  }
0x8: {  	s20 =	simm.s32 $0x4880;
	s21 =	simm.s32 $0x5080;
	s22 =	simm.s32 $0x5880  }
0x9: {  	s23 =	simm.s32 $0x6080;
	s24 =	simm.s32 $0x6880;
	s25 =	simm.s32 $0x7080  }
0xa: {  	s26 =	simm.s32 $0x7880;
	s28 =	simm.s32 $0x1;
	s6 =	sand.u32 $0x1, s3  }
0xb: {  	s3 =	simm.s32 $0x0;
	s7 =	sshll.u32 s2, $0x6;
	s8 =	sshll.u32 s6, $0x5  }
0xc: {  	[smem:$0x7FF] =	sst s3;
	s6 =	ssub.s32 $0x2, s6;
	s7 =	sor.u32 s8, s7  }
0xd: {  	_ =	strace $0x80000047;
	s9 =	sshrl.u32 s6, $0x1;
	s8 =	sshll.u32 s7, $0x7  }
0xe: {  	v2 =	vlaneseq.u32;
	s9 =	ssub.s32 s6, s9;
	s31 =	sshrl.u32 s7, $0x3;
	s6 =	sadd.s32 $0x200, s1  }
0xf: {  	vm0 =	vmmov $0xffff;
	v1 =	vshrl.u32 v2, $0x3;
	s7 =	sadd.s32 $0x300, s1;
	s8 =	sadd.s32 s8, s5;
	s4 =	sadd.s32 s4, s31  }
0x10: {  	v0 =	vand.u32 $0x7, v2;
	v2 =	vor.u32 $0x8, v2;
	v1 =	vmul.u32 $0x8, v1;
	s5 =	sadd.s32 $0x100, s1;
	s9 =	smax.u32 s9, $0x1;
	s8 =	sadd.s32 $0x200, s8  }
.LBB2_1:
0x11: {  	[tilespmem:s3], [sflag:$0x2] =	stream.linear.gather [hbm4b:s4+s3], $0x20, $0x38;
	[tilespmem:$0x8080] =	vst v63  }
0x12: {  	_ =	swait.ge [sflag:s10], $0x20  }
0x13: {  	[sflag:s10] =	ssyncset.done $0x0  }
0x14: {  	[sflag:s10] =	ssyncadd.s32 $0xFFFFFFE0  }
0x15: {  	v3 =	vld [tilespmem:$0x0];
	_ =	sdelay $0x4  }
0x16: {  	v4 =	vshll.u32 v3, $0x3  }
0x17: {  	v3 =	vand.u32 $0x7, v3;
	v4 =	vand.u32 $0xFFFFFFC0, v4  }
0x18: {  	v3 =	vor.u32 v3, v4  }
0x19: {  	v4 =	vperm.xlane v3, v0;
	_ =	sdelay $0x1  }
0x1a: {  	v4 =	vadd.s32 v1, v4;
	_ =	sdelay $0x4  }
0x1b: {  	[tilespmem:s11], [sflag:$0x1] =	stream.indirect_vreg.gather [hbm4b:s1+s3], $0x80, v4, vm0, $0xb8;
	[tilespmem:$0x8080] =	vst v63  }
0x1c: {  	v3 =	vperm.xlane v3, v2  }
0x1d: {  	[tilespmem:s12], [sflag:$0x1] =	stream.indirect_vreg.gather [hbm4b:s5+s3], $0x80, v4, vm0, $0xb8;
	[tilespmem:$0x8080] =	vst v63  }
0x1e: {  	v3 =	vadd.s32 v1, v3  }
0x1f: {  	[tilespmem:s13], [sflag:$0x1] =	stream.indirect_vreg.gather [hbm4b:s6+s3], $0x80, v4, vm0, $0xb8;
	[tilespmem:$0x8080] =	vst v63  }
0x20: {  	_ = 	snop  }
0x21: {  	[tilespmem:s14], [sflag:$0x1] =	stream.indirect_vreg.gather [hbm4b:s7+s3], $0x80, v4, vm0, $0xb8;
	[tilespmem:$0x8080] =	vst v63  }
0x22: {  	_ = 	snop  }
0x23: {  	[tilespmem:s15], [sflag:$0x1] =	stream.indirect_vreg.gather [hbm4b:s1+s3], $0x80, v3, vm0, $0xb8;
	[tilespmem:$0x8080] =	vst v63  }
0x24: {  	_ = 	snop  }
0x25: {  	[tilespmem:s16], [sflag:$0x1] =	stream.indirect_vreg.gather [hbm4b:s5+s3], $0x80, v3, vm0, $0xb8;
	[tilespmem:$0x8080] =	vst v63  }
0x26: {  	_ = 	snop  }
0x27: {  	[tilespmem:s17], [sflag:$0x1] =	stream.indirect_vreg.gather [hbm4b:s6+s3], $0x80, v3, vm0, $0xb8;
	[tilespmem:$0x8080] =	vst v63  }
0x28: {  	_ = 	snop  }
0x29: {  	[tilespmem:s18], [sflag:$0x1] =	stream.indirect_vreg.gather [hbm4b:s7+s3], $0x80, v3, vm0, $0xb8;
	[tilespmem:$0x8080] =	vst v63  }
0x2a: {  	v3 =	vld [tilespmem:$0x10];
	_ =	sdelay $0x4  }
0x2b: {  	v63 =	vshll.u32 v3, $0x3  }
0x2c: {  	v3 =	vand.u32 $0x7, v3;
	v4 =	vand.u32 $0xFFFFFFC0, v63  }
0x2d: {  	v3 =	vor.u32 v3, v4  }
0x2e: {  	v4 =	vperm.xlane v3, v0;
	_ =	sdelay $0x1  }
0x2f: {  	v4 =	vadd.s32 v1, v4;
	_ =	sdelay $0x4  }
0x30: {  	[tilespmem:s19], [sflag:$0x1] =	stream.indirect_vreg.gather [hbm4b:s1+s3], $0x80, v4, vm0, $0xb8;
	[tilespmem:$0x8080] =	vst v63  }
0x31: {  	v3 =	vperm.xlane v3, v2  }
0x32: {  	[tilespmem:s20], [sflag:$0x1] =	stream.indirect_vreg.gather [hbm4b:s5+s3], $0x80, v4, vm0, $0xb8;
	[tilespmem:$0x8080] =	vst v63  }
0x33: {  	v3 =	vadd.s32 v1, v3  }
0x34: {  	[tilespmem:s21], [sflag:$0x1] =	stream.indirect_vreg.gather [hbm4b:s6+s3], $0x80, v4, vm0, $0xb8;
	[tilespmem:$0x8080] =	vst v63  }
0x35: {  	_ = 	snop  }
0x36: {  	[tilespmem:s22], [sflag:$0x1] =	stream.indirect_vreg.gather [hbm4b:s7+s3], $0x80, v4, vm0, $0xb8;
	[tilespmem:$0x8080] =	vst v63  }
0x37: {  	_ = 	snop  }
0x38: {  	[tilespmem:s23], [sflag:$0x1] =	stream.indirect_vreg.gather [hbm4b:s1+s3], $0x80, v3, vm0, $0xb8;
	[tilespmem:$0x8080] =	vst v63  }
0x39: {  	_ = 	snop  }
0x3a: {  	[tilespmem:s24], [sflag:$0x1] =	stream.indirect_vreg.gather [hbm4b:s5+s3], $0x80, v3, vm0, $0xb8;
	[tilespmem:$0x8080] =	vst v63  }
0x3b: {  	_ = 	snop  }
0x3c: {  	[tilespmem:s25], [sflag:$0x1] =	stream.indirect_vreg.gather [hbm4b:s6+s3], $0x80, v3, vm0, $0xb8;
	[tilespmem:$0x8080] =	vst v63  }
0x3d: {  	_ = 	snop  }
0x3e: {  	[tilespmem:s26], [sflag:$0x1] =	stream.indirect_vreg.gather [hbm4b:s7+s3], $0x80, v3, vm0, $0xb8;
	[tilespmem:$0x8080] =	vst v63  }
0x3f: {  	_ =	swait.ge [sflag:s28], $0x8000  }
0x40: {  	p0 =	sne.s32 s9, $0x1;
	[sflag:s28] =	ssyncset.done $0x0  }
.Ltmp0:
0x41: {  	[sflag:s28] =	ssyncadd.s32 $0xFFFF8000;
	(pc) =	sbr.rel @p0 .LBB2_1-.Ltmp0, $4  }
0x42: {  	[hbm4b:s8+s3] =	stream.linear.scatter [tilespmem:s11], [sflag:$0x2], $0x8000, $0x38;
	[tilespmem:$0x8080] =	vst v63  }
0x43: {  	_ =	swait.ge [sflag:s10], $0x8000  }
0x44: {  	[sflag:s10] =	ssyncset.done $0x0  }
0x45: {  	s9 =	sadd.s32 $0xFFFFFFFF, s9;
	[sflag:s10] =	ssyncadd.s32 $0xFFFF8000  }
0x46: {  	_ =	sfence.sel $0x180000  }
0x47: {  	[bflag:$0x0] =	sbarrier.arrive $0xFFFF  }
0x48: {  	p0 =	sne.s32 s2, $0x0;
	_ =	strace $0x90000047  }
0x49: {  	s0 =	sadd.s32 @!p0 $0x100000, s0;
	[bflag:$0x2] =	sbarrier.arrive $0xFFFF  }
0x4a: {  	[sflag:s0] =	ssyncadd.tile.s32 @!p0 $0x1;
	_ =	shalt  }
.Lfunc_end2:
_tile_overlayer_lowered:
.L_overlay_start_2:
0x4b: {  	(tag) =	ssettag $0x2  }
0x4c: {  	s0 =	rddreg [dreg:$0x0];
	s2 =	stileid.u32  }
0x4d: {  	s1 =	rddreg [dreg:$0x1];
	p0 =	sne.s32 s2, $0x0  }
0x4e: {  	s3 =	rddreg [dreg:$0x2];
	[bflag:$0x3] =	sbarrier.arrive $0xFFFF;
	s2 =	simm.s32 @!p0 $0x1C02  }
0x4f: {  	[timem:s3], [sflag:s2] =	dma.local @!p0 [hbm:s0], s1  }
0x50: {  	s0 =	simm.s32 @!p0 $0x2  }
0x51: {  	_ =	swait.ge @!p0 [sflag:s0], s1  }
0x52: {  	s1 =	ssub.s32 @!p0 $0x0, s1;
	[sflag:s0] =	ssyncset.done @!p0 $0x0  }
0x53: {  	[sflag:s0] =	ssyncadd.s32 @!p0 s1  }
0x54: {  	[bflag:$0x3] =	sbarrier.arrive $0xFFFF  }
0x55: {  	_ =	shalt  }

</sc_bundles>
